<compile_context>
chip_gen: v7x
topology: tpu7x:2x2x1
jax: 0.10.2.dev20260603
libtpu: 0.0.44.dev20260713+nightly
codegen_flags: <defaults>
</compile_context>

<pallas_src>
import functools

import jax
import jax.numpy as jnp
from jax import lax
from jax.experimental import pallas as pl
from jax.experimental.pallas import tpu as pltpu
from jax.experimental.pallas import tpu_sc as plsc

B = 2
L = 512
D = 256
C = 5
IMG = 512
GSD = 0.2
GRID = 3
SPACING = 2
TD = 6
N = L * GRID * GRID
Q = N * C
ROW = 32
GQ = B * N

_NC, _NS = 2, 16
_NW = _NC * _NS
_PER = GQ // _NW
_CH = 96
_NCHUNK = _PER // _CH


def _gather_tokens_sc(table, flat_idx, qc):
    mesh = plsc.VectorSubcoreMesh(core_axis_name="c", subcore_axis_name="s")

    @functools.partial(
        pl.kernel,
        mesh=mesh,
        out_type=jax.ShapeDtypeStruct((GQ, ROW), jnp.float32),
        scratch_types=[
            pltpu.VMEM((_NCHUNK, _CH), jnp.int32),
            pltpu.VMEM((_PER, ROW), jnp.float32),
            pltpu.VMEM((2 * _PER,), jnp.float32),
            pltpu.SemaphoreType.DMA,
        ],
        compiler_params=pltpu.CompilerParams(use_tc_tiling_on_sc=False,
                                             needs_layout_passes=False),
    )
    def k(table_hbm, idx_hbm, qc_hbm, out_hbm, idx_v, rows_v, qc_v, sem):
        wid = lax.axis_index("s") * _NC + lax.axis_index("c")
        base = wid * _PER
        for j in range(_NCHUNK):
            pltpu.sync_copy(idx_hbm.at[pl.ds(base + j * _CH, _CH)], idx_v.at[j])
        pltpu.sync_copy(qc_hbm.at[pl.ds(2 * base, 2 * _PER)], qc_v)
        copies = []
        for j in range(_NCHUNK):
            copies.append(
                pltpu.async_copy(
                    table_hbm.at[idx_v.at[j]],
                    rows_v.at[pl.ds(j * _CH, _CH)],
                    sem,
                )
            )
        for cp in copies:
            cp.wait()
        lanes = lax.iota(jnp.int32, 16)
        cols = 30 + (lanes & 1)
        for i in range(_PER // 8):
            rows = i * 8 + (lanes >> 1)
            vals = qc_v[pl.ds(i * 16, 16)]
            plsc.store_scatter(rows_v, [rows, cols], vals)
        pltpu.sync_copy(rows_v, out_hbm.at[pl.ds(base, _PER)])

    return k(table, flat_idx, qc)


def _prep_body(latsT_ref, coordsT_ref, wkT_ref, wvT_ref, woT_ref, wqs_ref,
               kb_ref, vo_ref):
    latsT = latsT_ref[0]
    kt = jnp.dot(wkT_ref[...], latsT,
                 preferred_element_type=jnp.float32)
    vt = jnp.dot(wvT_ref[...], latsT,
                 preferred_element_type=jnp.float32)
    s = 1.0 / float(IMG * IMG)
    lp = coordsT_ref[0] / GSD + IMG / 2.0
    lpy = lp[0:1, :]
    lpx = lp[1:2, :]
    r1 = (2.0 * s) * lpy
    r2 = (2.0 * s) * lpx
    r3 = -s * (lpy * lpy + lpx * lpx)
    qk = jnp.dot(wqs_ref[...], kt,
                 preferred_element_type=jnp.float32)[0:TD]
    for c in range(C):
        pieces = []
        if c > 0:
            pieces.append(jnp.zeros((c * TD, L), jnp.float32))
        pieces.append(qk)
        rest = 30 - (c * TD + TD)
        if rest > 0:
            pieces.append(jnp.zeros((rest, L), jnp.float32))
        pieces.append(r1)
        pieces.append(r2)
        kb_ref[0, c] = jnp.concatenate(pieces, axis=0)
    vo_ref[0] = jnp.concatenate(
        [jnp.dot(woT_ref[...], vt, preferred_element_type=jnp.float32)[0:1],
         r3, jnp.zeros((6, L), jnp.float32)], axis=0)


def _prep(latsT, coordsT, WkT, WvT, WoT8, wqs):
    return pl.pallas_call(
        _prep_body,
        grid=(B,),
        in_specs=[
            pl.BlockSpec((1, D, L), lambda b: (b, 0, 0)),
            pl.BlockSpec((1, 2, L), lambda b: (b, 0, 0)),
            pl.BlockSpec((D, D), lambda b: (0, 0)),
            pl.BlockSpec((D, D), lambda b: (0, 0)),
            pl.BlockSpec((8, D), lambda b: (0, 0)),
            pl.BlockSpec((8, D), lambda b: (0, 0)),
        ],
        out_specs=[
            pl.BlockSpec((1, C, ROW, L), lambda b: (b, 0, 0, 0)),
            pl.BlockSpec((1, 8, L), lambda b: (b, 0, 0)),
        ],
        out_shape=[
            jax.ShapeDtypeStruct((B, C, ROW, L), jnp.float32),
            jax.ShapeDtypeStruct((B, 8, L), jnp.float32),
        ],
    )(latsT, coordsT, WkT, WvT, WoT8, wqs)


BP = 576
NPB = N // BP
GL = BP // 9


def _attn_body(tok_ref, kb_ref, vo_ref, g_ref, out_ref):
    tok = tok_ref[0]
    vo = vo_ref[0, 0:1, :]
    bias = vo_ref[0, 1:2, :]
    acc = jnp.zeros((BP, 1), jnp.float32)
    for c in range(C):
        logits = jnp.dot(tok, kb_ref[0, c],
                         preferred_element_type=jnp.float32) + bias
        m = jnp.max(logits, axis=-1, keepdims=True)
        e = jnp.exp(logits - m)
        den = jnp.sum(e, axis=-1, keepdims=True)
        num = jnp.sum(e * vo, axis=-1, keepdims=True)
        pred = num / den
        gt = tok[:, c * TD:c * TD + 1]
        d = pred - gt
        acc = acc + d * d
    out_ref[0, 0] = jnp.dot(g_ref[...], acc,
                            preferred_element_type=jnp.float32)


def _attn(tok32, kb, vo, g):
    return pl.pallas_call(
        _attn_body,
        grid=(B, NPB),
        in_specs=[
            pl.BlockSpec((1, BP, ROW), lambda b, qb: (b, qb, 0)),
            pl.BlockSpec((1, C, ROW, L), lambda b, qb: (b, 0, 0, 0)),
            pl.BlockSpec((1, 8, L), lambda b, qb: (b, 0, 0)),
            pl.BlockSpec((GL, BP), lambda b, qb: (0, 0)),
        ],
        out_specs=pl.BlockSpec((1, 1, GL, 1), lambda b, qb: (b, qb, 0, 0)),
        out_shape=jax.ShapeDtypeStruct((B, NPB, GL, 1), jnp.float32),
        compiler_params=pltpu.CompilerParams(
            dimension_semantics=("parallel", "parallel")),
    )(tok32, kb, vo, g)


def kernel(initial_positions, final_latents, final_coords, image_err,
           Wq, Wk, Wv, Wo):
    f32 = jnp.float32
    pos_pix = initial_positions / GSD + IMG / 2.0
    off = (jnp.arange(GRID, dtype=f32) - GRID // 2) * SPACING
    oy, ox = jnp.meshgrid(off, off, indexing="ij")
    grid_off = jnp.stack([oy.ravel(), ox.ravel()], axis=-1)
    sc = pos_pix[:, :, None, :] + grid_off[None, None, :, :]
    sc = jnp.clip(sc, 0.0, IMG - 1.0)
    sc_flat = sc.reshape(B, N, 2)
    idx = jnp.round(sc_flat).astype(jnp.int32)
    y = idx[..., 0]
    x = idx[..., 1]
    flat_idx = (jnp.arange(B, dtype=jnp.int32)[:, None] * (IMG * IMG)
                + y * IMG + x).reshape(GQ)

    imgT = jnp.transpose(image_err, (0, 2, 3, 1, 4)).reshape(B, IMG * IMG,
                                                             C * TD)
    table = jnp.pad(imgT, ((0, 0), (0, 0), (0, ROW - C * TD)))
    table = table.reshape(B * IMG * IMG, ROW)

    gathered = _gather_tokens_sc(table, flat_idx,
                                 sc_flat.reshape(2 * GQ))
    tok32 = gathered.reshape(B, N, ROW)

    wqs = jnp.pad(Wq * (1.0 / 16.0), ((0, 2), (0, 0)))
    latsT = jnp.transpose(final_latents, (0, 2, 1))
    coordsT = jnp.transpose(final_coords, (0, 2, 1))
    WkT = Wk.T
    WvT = Wv.T
    WoT8 = jnp.pad(Wo.T, ((0, 7), (0, 0)))

    kb, vo = _prep(latsT, coordsT, WkT, WvT, WoT8, wqs)

    g = jnp.repeat(jnp.eye(GL, dtype=f32), 9, axis=1) * (1.0 / 45.0)

    out = _attn(tok32, kb, vo, g)
    return out.reshape(B, L)
    out = _attn(tokx, kb, vo, g)
    return out.reshape(B, L)

# --- scband reference (transcript-rebuilt; emitter-appended) ---
"""Pipeline reference for scband-error-supervision-module-32856499815177 (READ-ONLY COPY).

The authoritative reference and input builder live on the scoring server;
editing this copy changes nothing except your own understanding.
"""

import jax, jax.numpy as jnp
import numpy as np

B = 2; L = 512; D = 256; C = 5; IMG = 512; GSD = 0.2; GRID = 3; SPACING = 2; TD = 6

def setup_inputs(seed: int = 0):
    key = jax.random.key(seed)
    ks = jax.random.split(key, 8)
    return {
        "initial_positions": jax.random.uniform(ks[0], (B, L, 2), jnp.float32),
        "final_latents": jax.random.normal(ks[1], (B, L, D), jnp.float32),
        "final_coords": jax.random.uniform(ks[2], (B, L, 2), jnp.float32),
        "image_err": jax.random.normal(ks[3], (B, C, IMG, IMG, TD), jnp.float32),
        "Wq": jax.random.normal(ks[4], (TD, D), jnp.float32) / np.sqrt(TD),
        "Wk": jax.random.normal(ks[5], (D, D), jnp.float32) / np.sqrt(D),
        "Wv": jax.random.normal(ks[6], (D, D), jnp.float32) / np.sqrt(D),
        "Wo": jax.random.normal(ks[7], (D, 1), jnp.float32) / np.sqrt(D),
    }

def reference(initial_positions, final_latents, final_coords, image_err, Wq, Wk, Wv, Wo):
    # geometry.meters_to_pixels
    pos_pix = initial_positions / GSD + IMG / 2.0  # [B,L,2]
    # geometry.sample_grid_around_positions: 3x3 grid, spacing=2, clipped to image
    off = (jnp.arange(GRID, dtype=jnp.float32) - GRID // 2) * SPACING
    oy, ox = jnp.meshgrid(off, off, indexing="ij")
    grid = jnp.stack([oy.ravel(), ox.ravel()], axis=-1)  # [9,2]
    sc = pos_pix[:, :, None, :] + grid[None, None, :, :]  # [B,L,9,2]
    sc = jnp.clip(sc, 0.0, IMG - 1.0)
    N = L * GRID * GRID
    sc_flat = sc.reshape(B, N, 2)
    # geometry.extract_query_tokens_from_image: gather pixel + metadata per (position, channel)
    idx = jax.lax.stop_gradient(jnp.round(sc_flat).astype(jnp.int32))
    y = idx[..., 0]; x = idx[..., 1]
    img = jnp.transpose(image_err, (0, 2, 3, 1, 4))  # [B,H,W,C,TD]
    b_idx = jnp.arange(B)[:, None]
    pix = img[b_idx, y, x]  # [B,N,C,TD] gather (SparseCore-friendly)
    ground_truth = pix[..., 0].reshape(B, N * C)            # [B,Q]
    query_tokens = pix.reshape(B, N * C, TD)                # [B,Q,TD]
    # query_mask = zeros -> no masking effect
    # model.reconstruct: cross-attention from queries to final latents, with
    # distance bias using final_coords (stand-in for k-NN locality in decoder)
    q = query_tokens @ Wq                                   # [B,Q,D]
    k = final_latents @ Wk                                  # [B,L,D]
    v = final_latents @ Wv                                  # [B,L,D]
    logits = jnp.einsum("bqd,bld->bql", q, k) / np.sqrt(D)
    qc = jnp.repeat(sc_flat, C, axis=1)                     # [B,Q,2]
    lp = final_coords / GSD + IMG / 2.0                     # [B,L,2]
    d2 = (qc ** 2).sum(-1)[:, :, None] + (lp ** 2).sum(-1)[:, None, :] - 2.0 * jnp.einsum("bqc,blc->bql", qc, lp)
    logits = logits - d2 / float(IMG * IMG)
    attn = jax.nn.softmax(logits, axis=-1)
    out = jnp.einsum("bql,bld->bqd", attn, v)
    predictions = (out @ Wo)[..., 0]                        # [B,Q]
    errors = (predictions - ground_truth) ** 2
    errors = errors.reshape(B, L, GRID * GRID, C)
    errors_per_latent = errors.mean(axis=(-1, -2))          # [B,L]
    return errors_per_latent

if __name__ == "__main__":
    import jax
    _d = setup_inputs()
    print(jax.jit(kernel)(*tuple(_d.values())))

</pallas_src>

<mosaic_0001>
#map = affine_map<(d0, d1) -> (0, 0)>
#map1 = affine_map<(d0, d1) -> (0)>
module attributes {stable_mosaic.version = 14 : i64} {
  func.func @k(%arg0: i32, %arg1: i32, %arg2: memref<524288x32xf32, #tpu.memory_space<hbm>>, %arg3: memref<9216xi32, #tpu.memory_space<hbm>>, %arg4: memref<18432xf32, #tpu.memory_space<hbm>>, %arg5: memref<9216x32xf32, #tpu.memory_space<hbm>>, %arg6: memref<3x96xi32, #tpu.memory_space<vmem>>, %arg7: memref<288x32xf32, #tpu.memory_space<vmem>>, %arg8: memref<576xf32, #tpu.memory_space<vmem>>, %arg9: memref<!tpu.dma_semaphore, #tpu.memory_space<semaphore_mem>>) attributes {dimension_semantics = [#tpu.dimension_semantics<core_parallel>, #tpu.dimension_semantics<subcore_parallel>], iteration_bounds = array<i64: 2, 16>, scalar_prefetch = 0 : i64, scratch_operands = 4 : i64, tpu.core_type = #tpu.core_type<sc_vector_subcore>, window_params = [{transform_indices = #map}, {transform_indices = #map1}, {transform_indices = #map1}, {transform_indices = #map}]} {
    %mul3A = arith.constant 2 : i32
    %mul3A_0 = arith.muli %arg1, %mul3A : i32
    %add3A = arith.addi %mul3A_0, %arg0 : i32
    %mul3A_1 = arith.constant 288 : i32
    %mul3A_2 = arith.muli %add3A, %mul3A_1 : i32
    %add3A_3 = arith.constant 0 : i32
    %add3A_4 = arith.addi %mul3A_2, %add3A_3 : i32
    %run_scoped3A = arith.constant 0 : i32
    "tpu.region"() ({
      %run_scoped3A_362 = tpu.sem_alloc : memref<!tpu.dma_semaphore, #tpu.memory_space<semaphore_mem>>
      %dma_start3A_363 = arith.constant 0 : i32
      %dma_start3A_364 = tpu.memref_slice %arg6[%run_scoped3A, %dma_start3A_363] : memref<3x96xi32, #tpu.memory_space<vmem>> -> memref<1x96xi32, #tpu.memory_space<vmem>>
      %dma_start3A_365 = tpu.memref_squeeze %dma_start3A_364 : memref<1x96xi32, #tpu.memory_space<vmem>> -> memref<96xi32, #tpu.memory_space<vmem>>
      %dma_start3A_366 = tpu.memref_slice %arg3[%add3A_4] : memref<9216xi32, #tpu.memory_space<hbm>> -> memref<96xi32, #tpu.memory_space<hbm>>
      %dma_start3A_367 = arith.constant 0 : i32
      %dma_start3A_368 = tpu.memref_slice %arg6[%run_scoped3A, %dma_start3A_367] : memref<3x96xi32, #tpu.memory_space<vmem>> -> memref<1x96xi32, #tpu.memory_space<vmem>>
      %dma_start3A_369 = tpu.memref_squeeze %dma_start3A_368 : memref<1x96xi32, #tpu.memory_space<vmem>> -> memref<96xi32, #tpu.memory_space<vmem>>
      %dma_start3A_370 = tpu.memref_slice %arg3[%add3A_4] : memref<9216xi32, #tpu.memory_space<hbm>> -> memref<96xi32, #tpu.memory_space<hbm>>
      tpu.enqueue_dma source(%dma_start3A_370 : memref<96xi32, #tpu.memory_space<hbm>>) target(%dma_start3A_369 : memref<96xi32, #tpu.memory_space<vmem>>) target_semaphore(%run_scoped3A_362 : memref<!tpu.dma_semaphore, #tpu.memory_space<semaphore_mem>>)
      %dma_wait3A_371 = arith.constant 0 : i32
      %dma_wait3A_372 = tpu.memref_slice %arg6[%run_scoped3A, %dma_wait3A_371] : memref<3x96xi32, #tpu.memory_space<vmem>> -> memref<1x96xi32, #tpu.memory_space<vmem>>
      %dma_wait3A_373 = tpu.memref_squeeze %dma_wait3A_372 : memref<1x96xi32, #tpu.memory_space<vmem>> -> memref<96xi32, #tpu.memory_space<vmem>>
      %dma_wait3A_374 = tpu.memref_slice %arg3[%add3A_4] : memref<9216xi32, #tpu.memory_space<hbm>> -> memref<96xi32, #tpu.memory_space<hbm>>
      %dma_wait3A_375 = arith.constant 0 : i32
      %dma_wait3A_376 = tpu.memref_slice %arg6[%run_scoped3A, %dma_wait3A_375] : memref<3x96xi32, #tpu.memory_space<vmem>> -> memref<1x96xi32, #tpu.memory_space<vmem>>
      %dma_wait3A_377 = tpu.memref_squeeze %dma_wait3A_376 : memref<1x96xi32, #tpu.memory_space<vmem>> -> memref<96xi32, #tpu.memory_space<vmem>>
      %dma_wait3A_378 = tpu.memref_slice %arg3[%add3A_4] : memref<9216xi32, #tpu.memory_space<hbm>> -> memref<96xi32, #tpu.memory_space<hbm>>
      tpu.wait_dma2 semaphore(%run_scoped3A_362 : memref<!tpu.dma_semaphore, #tpu.memory_space<semaphore_mem>>) src(%dma_wait3A_378 : memref<96xi32, #tpu.memory_space<hbm>>) dst(%dma_wait3A_377 : memref<96xi32, #tpu.memory_space<vmem>>)
      tpu.yield
    }) : () -> ()
    %add3A_5 = arith.constant 96 : i32
    %add3A_6 = arith.addi %mul3A_2, %add3A_5 : i32
    %run_scoped3A_7 = arith.constant 1 : i32
    "tpu.region"() ({
      %run_scoped3A_362 = tpu.sem_alloc : memref<!tpu.dma_semaphore, #tpu.memory_space<semaphore_mem>>
      %dma_start3A_363 = arith.constant 0 : i32
      %dma_start3A_364 = tpu.memref_slice %arg6[%run_scoped3A_7, %dma_start3A_363] : memref<3x96xi32, #tpu.memory_space<vmem>> -> memref<1x96xi32, #tpu.memory_space<vmem>>
      %dma_start3A_365 = tpu.memref_squeeze %dma_start3A_364 : memref<1x96xi32, #tpu.memory_space<vmem>> -> memref<96xi32, #tpu.memory_space<vmem>>
      %dma_start3A_366 = tpu.memref_slice %arg3[%add3A_6] : memref<9216xi32, #tpu.memory_space<hbm>> -> memref<96xi32, #tpu.memory_space<hbm>>
      %dma_start3A_367 = arith.constant 0 : i32
      %dma_start3A_368 = tpu.memref_slice %arg6[%run_scoped3A_7, %dma_start3A_367] : memref<3x96xi32, #tpu.memory_space<vmem>> -> memref<1x96xi32, #tpu.memory_space<vmem>>
      %dma_start3A_369 = tpu.memref_squeeze %dma_start3A_368 : memref<1x96xi32, #tpu.memory_space<vmem>> -> memref<96xi32, #tpu.memory_space<vmem>>
      %dma_start3A_370 = tpu.memref_slice %arg3[%add3A_6] : memref<9216xi32, #tpu.memory_space<hbm>> -> memref<96xi32, #tpu.memory_space<hbm>>
      tpu.enqueue_dma source(%dma_start3A_370 : memref<96xi32, #tpu.memory_space<hbm>>) target(%dma_start3A_369 : memref<96xi32, #tpu.memory_space<vmem>>) target_semaphore(%run_scoped3A_362 : memref<!tpu.dma_semaphore, #tpu.memory_space<semaphore_mem>>)
      %dma_wait3A_371 = arith.constant 0 : i32
      %dma_wait3A_372 = tpu.memref_slice %arg6[%run_scoped3A_7, %dma_wait3A_371] : memref<3x96xi32, #tpu.memory_space<vmem>> -> memref<1x96xi32, #tpu.memory_space<vmem>>
      %dma_wait3A_373 = tpu.memref_squeeze %dma_wait3A_372 : memref<1x96xi32, #tpu.memory_space<vmem>> -> memref<96xi32, #tpu.memory_space<vmem>>
      %dma_wait3A_374 = tpu.memref_slice %arg3[%add3A_6] : memref<9216xi32, #tpu.memory_space<hbm>> -> memref<96xi32, #tpu.memory_space<hbm>>
      %dma_wait3A_375 = arith.constant 0 : i32
      %dma_wait3A_376 = tpu.memref_slice %arg6[%run_scoped3A_7, %dma_wait3A_375] : memref<3x96xi32, #tpu.memory_space<vmem>> -> memref<1x96xi32, #tpu.memory_space<vmem>>
      %dma_wait3A_377 = tpu.memref_squeeze %dma_wait3A_376 : memref<1x96xi32, #tpu.memory_space<vmem>> -> memref<96xi32, #tpu.memory_space<vmem>>
      %dma_wait3A_378 = tpu.memref_slice %arg3[%add3A_6] : memref<9216xi32, #tpu.memory_space<hbm>> -> memref<96xi32, #tpu.memory_space<hbm>>
      tpu.wait_dma2 semaphore(%run_scoped3A_362 : memref<!tpu.dma_semaphore, #tpu.memory_space<semaphore_mem>>) src(%dma_wait3A_378 : memref<96xi32, #tpu.memory_space<hbm>>) dst(%dma_wait3A_377 : memref<96xi32, #tpu.memory_space<vmem>>)
      tpu.yield
    }) : () -> ()
    %add3A_8 = arith.constant 192 : i32
    %add3A_9 = arith.addi %mul3A_2, %add3A_8 : i32
    %run_scoped3A_10 = arith.constant 2 : i32
    "tpu.region"() ({
      %run_scoped3A_362 = tpu.sem_alloc : memref<!tpu.dma_semaphore, #tpu.memory_space<semaphore_mem>>
      %dma_start3A_363 = arith.constant 0 : i32
      %dma_start3A_364 = tpu.memref_slice %arg6[%run_scoped3A_10, %dma_start3A_363] : memref<3x96xi32, #tpu.memory_space<vmem>> -> memref<1x96xi32, #tpu.memory_space<vmem>>
      %dma_start3A_365 = tpu.memref_squeeze %dma_start3A_364 : memref<1x96xi32, #tpu.memory_space<vmem>> -> memref<96xi32, #tpu.memory_space<vmem>>
      %dma_start3A_366 = tpu.memref_slice %arg3[%add3A_9] : memref<9216xi32, #tpu.memory_space<hbm>> -> memref<96xi32, #tpu.memory_space<hbm>>
      %dma_start3A_367 = arith.constant 0 : i32
      %dma_start3A_368 = tpu.memref_slice %arg6[%run_scoped3A_10, %dma_start3A_367] : memref<3x96xi32, #tpu.memory_space<vmem>> -> memref<1x96xi32, #tpu.memory_space<vmem>>
      %dma_start3A_369 = tpu.memref_squeeze %dma_start3A_368 : memref<1x96xi32, #tpu.memory_space<vmem>> -> memref<96xi32, #tpu.memory_space<vmem>>
      %dma_start3A_370 = tpu.memref_slice %arg3[%add3A_9] : memref<9216xi32, #tpu.memory_space<hbm>> -> memref<96xi32, #tpu.memory_space<hbm>>
      tpu.enqueue_dma source(%dma_start3A_370 : memref<96xi32, #tpu.memory_space<hbm>>) target(%dma_start3A_369 : memref<96xi32, #tpu.memory_space<vmem>>) target_semaphore(%run_scoped3A_362 : memref<!tpu.dma_semaphore, #tpu.memory_space<semaphore_mem>>)
      %dma_wait3A_371 = arith.constant 0 : i32
      %dma_wait3A_372 = tpu.memref_slice %arg6[%run_scoped3A_10, %dma_wait3A_371] : memref<3x96xi32, #tpu.memory_space<vmem>> -> memref<1x96xi32, #tpu.memory_space<vmem>>
      %dma_wait3A_373 = tpu.memref_squeeze %dma_wait3A_372 : memref<1x96xi32, #tpu.memory_space<vmem>> -> memref<96xi32, #tpu.memory_space<vmem>>
      %dma_wait3A_374 = tpu.memref_slice %arg3[%add3A_9] : memref<9216xi32, #tpu.memory_space<hbm>> -> memref<96xi32, #tpu.memory_space<hbm>>
      %dma_wait3A_375 = arith.constant 0 : i32
      %dma_wait3A_376 = tpu.memref_slice %arg6[%run_scoped3A_10, %dma_wait3A_375] : memref<3x96xi32, #tpu.memory_space<vmem>> -> memref<1x96xi32, #tpu.memory_space<vmem>>
      %dma_wait3A_377 = tpu.memref_squeeze %dma_wait3A_376 : memref<1x96xi32, #tpu.memory_space<vmem>> -> memref<96xi32, #tpu.memory_space<vmem>>
      %dma_wait3A_378 = tpu.memref_slice %arg3[%add3A_9] : memref<9216xi32, #tpu.memory_space<hbm>> -> memref<96xi32, #tpu.memory_space<hbm>>
      tpu.wait_dma2 semaphore(%run_scoped3A_362 : memref<!tpu.dma_semaphore, #tpu.memory_space<semaphore_mem>>) src(%dma_wait3A_378 : memref<96xi32, #tpu.memory_space<hbm>>) dst(%dma_wait3A_377 : memref<96xi32, #tpu.memory_space<vmem>>)
      tpu.yield
    }) : () -> ()
    %mul3A_11 = arith.constant 2 : i32
    %mul3A_12 = arith.muli %mul3A_11, %mul3A_2 : i32
    "tpu.region"() ({
      %run_scoped3A_362 = tpu.sem_alloc : memref<!tpu.dma_semaphore, #tpu.memory_space<semaphore_mem>>
      %dma_start3A_363 = tpu.memref_slice %arg4[%mul3A_12] : memref<18432xf32, #tpu.memory_space<hbm>> -> memref<576xf32, #tpu.memory_space<hbm>>
      %dma_start3A_364 = tpu.memref_slice %arg4[%mul3A_12] : memref<18432xf32, #tpu.memory_space<hbm>> -> memref<576xf32, #tpu.memory_space<hbm>>
      tpu.enqueue_dma source(%dma_start3A_364 : memref<576xf32, #tpu.memory_space<hbm>>) target(%arg8 : memref<576xf32, #tpu.memory_space<vmem>>) target_semaphore(%run_scoped3A_362 : memref<!tpu.dma_semaphore, #tpu.memory_space<semaphore_mem>>)
      %dma_wait3A_365 = tpu.memref_slice %arg4[%mul3A_12] : memref<18432xf32, #tpu.memory_space<hbm>> -> memref<576xf32, #tpu.memory_space<hbm>>
      %dma_wait3A_366 = tpu.memref_slice %arg4[%mul3A_12] : memref<18432xf32, #tpu.memory_space<hbm>> -> memref<576xf32, #tpu.memory_space<hbm>>
      tpu.wait_dma2 semaphore(%run_scoped3A_362 : memref<!tpu.dma_semaphore, #tpu.memory_space<semaphore_mem>>) src(%dma_wait3A_366 : memref<576xf32, #tpu.memory_space<hbm>>) dst(%arg8 : memref<576xf32, #tpu.memory_space<vmem>>)
      tpu.yield
    }) : () -> ()
    %dma_start3A = arith.constant 0 : i32
    %dma_start3A_13 = arith.constant 0 : i32
    %dma_start3A_14 = arith.constant 0 : i32
    %dma_start3A_15 = tpu.memref_slice %arg7[%dma_start3A_13, %dma_start3A_14] : memref<288x32xf32, #tpu.memory_space<vmem>> -> memref<96x32xf32, #tpu.memory_space<vmem>>
    %dma_start3A_16 = arith.constant 0 : i32
    %dma_start3A_17 = tpu.memref_slice %arg6[%dma_start3A, %dma_start3A_16] : memref<3x96xi32, #tpu.memory_space<vmem>> -> memref<1x96xi32, #tpu.memory_space<vmem>>
    %dma_start3A_18 = tpu.memref_squeeze %dma_start3A_17 : memref<1x96xi32, #tpu.memory_space<vmem>> -> memref<96xi32, #tpu.memory_space<vmem>>
    %dma_start3A_19 = arith.constant 0 : i32
    %dma_start3A_20 = arith.constant 0 : i32
    %dma_start3A_21 = tpu.memref_slice %arg2[%dma_start3A_19, %dma_start3A_20] : memref<524288x32xf32, #tpu.memory_space<hbm>> -> memref<524288x32xf32, #tpu.memory_space<hbm>>
    tpu.enqueue_indirect_dma source(%dma_start3A_21 : memref<524288x32xf32, #tpu.memory_space<hbm>>) target(%dma_start3A_15 : memref<96x32xf32, #tpu.memory_space<vmem>>) offsets(%dma_start3A_18 : memref<96xi32, #tpu.memory_space<vmem>>) semaphore(%arg9 : memref<!tpu.dma_semaphore, #tpu.memory_space<semaphore_mem>>)
    %dma_start3A_22 = arith.constant 1 : i32
    %dma_start3A_23 = arith.constant 96 : i32
    %dma_start3A_24 = arith.constant 0 : i32
    %dma_start3A_25 = tpu.memref_slice %arg7[%dma_start3A_23, %dma_start3A_24] : memref<288x32xf32, #tpu.memory_space<vmem>> -> memref<96x32xf32, #tpu.memory_space<vmem>>
    %dma_start3A_26 = arith.constant 0 : i32
    %dma_start3A_27 = tpu.memref_slice %arg6[%dma_start3A_22, %dma_start3A_26] : memref<3x96xi32, #tpu.memory_space<vmem>> -> memref<1x96xi32, #tpu.memory_space<vmem>>
    %dma_start3A_28 = tpu.memref_squeeze %dma_start3A_27 : memref<1x96xi32, #tpu.memory_space<vmem>> -> memref<96xi32, #tpu.memory_space<vmem>>
    %dma_start3A_29 = arith.constant 0 : i32
    %dma_start3A_30 = arith.constant 0 : i32
    %dma_start3A_31 = tpu.memref_slice %arg2[%dma_start3A_29, %dma_start3A_30] : memref<524288x32xf32, #tpu.memory_space<hbm>> -> memref<524288x32xf32, #tpu.memory_space<hbm>>
    tpu.enqueue_indirect_dma source(%dma_start3A_31 : memref<524288x32xf32, #tpu.memory_space<hbm>>) target(%dma_start3A_25 : memref<96x32xf32, #tpu.memory_space<vmem>>) offsets(%dma_start3A_28 : memref<96xi32, #tpu.memory_space<vmem>>) semaphore(%arg9 : memref<!tpu.dma_semaphore, #tpu.memory_space<semaphore_mem>>)
    %dma_start3A_32 = arith.constant 2 : i32
    %dma_start3A_33 = arith.constant 192 : i32
    %dma_start3A_34 = arith.constant 0 : i32
    %dma_start3A_35 = tpu.memref_slice %arg7[%dma_start3A_33, %dma_start3A_34] : memref<288x32xf32, #tpu.memory_space<vmem>> -> memref<96x32xf32, #tpu.memory_space<vmem>>
    %dma_start3A_36 = arith.constant 0 : i32
    %dma_start3A_37 = tpu.memref_slice %arg6[%dma_start3A_32, %dma_start3A_36] : memref<3x96xi32, #tpu.memory_space<vmem>> -> memref<1x96xi32, #tpu.memory_space<vmem>>
    %dma_start3A_38 = tpu.memref_squeeze %dma_start3A_37 : memref<1x96xi32, #tpu.memory_space<vmem>> -> memref<96xi32, #tpu.memory_space<vmem>>
    %dma_start3A_39 = arith.constant 0 : i32
    %dma_start3A_40 = arith.constant 0 : i32
    %dma_start3A_41 = tpu.memref_slice %arg2[%dma_start3A_39, %dma_start3A_40] : memref<524288x32xf32, #tpu.memory_space<hbm>> -> memref<524288x32xf32, #tpu.memory_space<hbm>>
    tpu.enqueue_indirect_dma source(%dma_start3A_41 : memref<524288x32xf32, #tpu.memory_space<hbm>>) target(%dma_start3A_35 : memref<96x32xf32, #tpu.memory_space<vmem>>) offsets(%dma_start3A_38 : memref<96xi32, #tpu.memory_space<vmem>>) semaphore(%arg9 : memref<!tpu.dma_semaphore, #tpu.memory_space<semaphore_mem>>)
    %dma_wait3A = arith.constant 0 : i32
    %dma_wait3A_42 = arith.constant 0 : i32
    %dma_wait3A_43 = arith.constant 0 : i32
    %dma_wait3A_44 = tpu.memref_slice %arg7[%dma_wait3A_42, %dma_wait3A_43] : memref<288x32xf32, #tpu.memory_space<vmem>> -> memref<96x32xf32, #tpu.memory_space<vmem>>
    %dma_wait3A_45 = arith.constant 0 : i32
    %dma_wait3A_46 = tpu.memref_slice %arg6[%dma_wait3A, %dma_wait3A_45] : memref<3x96xi32, #tpu.memory_space<vmem>> -> memref<1x96xi32, #tpu.memory_space<vmem>>
    %dma_wait3A_47 = tpu.memref_squeeze %dma_wait3A_46 : memref<1x96xi32, #tpu.memory_space<vmem>> -> memref<96xi32, #tpu.memory_space<vmem>>
    %dma_wait3A_48 = arith.constant 0 : i32
    %dma_wait3A_49 = arith.constant 0 : i32
    %dma_wait3A_50 = tpu.memref_slice %arg2[%dma_wait3A_48, %dma_wait3A_49] : memref<524288x32xf32, #tpu.memory_space<hbm>> -> memref<524288x32xf32, #tpu.memory_space<hbm>>
    tpu.wait_indirect_dma semaphore(%arg9 : memref<!tpu.dma_semaphore, #tpu.memory_space<semaphore_mem>>) src(%dma_wait3A_50 : memref<524288x32xf32, #tpu.memory_space<hbm>>) dst(%dma_wait3A_44 : memref<96x32xf32, #tpu.memory_space<vmem>>)
    %dma_wait3A_51 = arith.constant 1 : i32
    %dma_wait3A_52 = arith.constant 96 : i32
    %dma_wait3A_53 = arith.constant 0 : i32
    %dma_wait3A_54 = tpu.memref_slice %arg7[%dma_wait3A_52, %dma_wait3A_53] : memref<288x32xf32, #tpu.memory_space<vmem>> -> memref<96x32xf32, #tpu.memory_space<vmem>>
    %dma_wait3A_55 = arith.constant 0 : i32
    %dma_wait3A_56 = tpu.memref_slice %arg6[%dma_wait3A_51, %dma_wait3A_55] : memref<3x96xi32, #tpu.memory_space<vmem>> -> memref<1x96xi32, #tpu.memory_space<vmem>>
    %dma_wait3A_57 = tpu.memref_squeeze %dma_wait3A_56 : memref<1x96xi32, #tpu.memory_space<vmem>> -> memref<96xi32, #tpu.memory_space<vmem>>
    %dma_wait3A_58 = arith.constant 0 : i32
    %dma_wait3A_59 = arith.constant 0 : i32
    %dma_wait3A_60 = tpu.memref_slice %arg2[%dma_wait3A_58, %dma_wait3A_59] : memref<524288x32xf32, #tpu.memory_space<hbm>> -> memref<524288x32xf32, #tpu.memory_space<hbm>>
    tpu.wait_indirect_dma semaphore(%arg9 : memref<!tpu.dma_semaphore, #tpu.memory_space<semaphore_mem>>) src(%dma_wait3A_60 : memref<524288x32xf32, #tpu.memory_space<hbm>>) dst(%dma_wait3A_54 : memref<96x32xf32, #tpu.memory_space<vmem>>)
    %dma_wait3A_61 = arith.constant 2 : i32
    %dma_wait3A_62 = arith.constant 192 : i32
    %dma_wait3A_63 = arith.constant 0 : i32
    %dma_wait3A_64 = tpu.memref_slice %arg7[%dma_wait3A_62, %dma_wait3A_63] : memref<288x32xf32, #tpu.memory_space<vmem>> -> memref<96x32xf32, #tpu.memory_space<vmem>>
    %dma_wait3A_65 = arith.constant 0 : i32
    %dma_wait3A_66 = tpu.memref_slice %arg6[%dma_wait3A_61, %dma_wait3A_65] : memref<3x96xi32, #tpu.memory_space<vmem>> -> memref<1x96xi32, #tpu.memory_space<vmem>>
    %dma_wait3A_67 = tpu.memref_squeeze %dma_wait3A_66 : memref<1x96xi32, #tpu.memory_space<vmem>> -> memref<96xi32, #tpu.memory_space<vmem>>
    %dma_wait3A_68 = arith.constant 0 : i32
    %dma_wait3A_69 = arith.constant 0 : i32
    %dma_wait3A_70 = tpu.memref_slice %arg2[%dma_wait3A_68, %dma_wait3A_69] : memref<524288x32xf32, #tpu.memory_space<hbm>> -> memref<524288x32xf32, #tpu.memory_space<hbm>>
    tpu.wait_indirect_dma semaphore(%arg9 : memref<!tpu.dma_semaphore, #tpu.memory_space<semaphore_mem>>) src(%dma_wait3A_70 : memref<524288x32xf32, #tpu.memory_space<hbm>>) dst(%dma_wait3A_64 : memref<96x32xf32, #tpu.memory_space<vmem>>)
    %iota3A = tpu.iota {dimensions = array<i32: 0>} : vector<16xi32>
    %and3A = arith.constant 1 : i32
    %and3A_71 = vector.broadcast %and3A : i32 to vector<16xi32>
    %and3A_72 = arith.andi %iota3A, %and3A_71 : vector<16xi32>
    %add3A_73 = arith.constant 30 : i32
    %add3A_74 = vector.broadcast %add3A_73 : i32 to vector<16xi32>
    %add3A_75 = arith.addi %add3A_74, %and3A_72 : vector<16xi32>
    %shift_right_arithmetic3A = arith.constant 1 : i32
    %shift_right_arithmetic3A_76 = vector.broadcast %shift_right_arithmetic3A : i32 to vector<16xi32>
    %shift_right_arithmetic3A_77 = arith.shrsi %iota3A, %shift_right_arithmetic3A_76 : vector<16xi32>
    %add3A_78 = arith.constant 0 : i32
    %add3A_79 = vector.broadcast %add3A_78 : i32 to vector<16xi32>
    %add3A_80 = arith.addi %add3A_79, %shift_right_arithmetic3A_77 : vector<16xi32>
    %get3A = arith.constant 0 : index
    %get3A_81 = tpu.vector_load %arg8[%get3A] {strides = array<i32>} : memref<576xf32, #tpu.memory_space<vmem>>, vector<16xf32>,
    tpu.vector_store_idx %arg7[%add3A_80, %add3A_75], %get3A_81 : memref<288x32xf32, #tpu.memory_space<vmem>>[vector<16xi32>, vector<16xi32>], vector<16xf32>,
    %shift_right_arithmetic3A_82 = arith.constant 1 : i32
    %shift_right_arithmetic3A_83 = vector.broadcast %shift_right_arithmetic3A_82 : i32 to vector<16xi32>
    %shift_right_arithmetic3A_84 = arith.shrsi %iota3A, %shift_right_arithmetic3A_83 : vector<16xi32>
    %add3A_85 = arith.constant 8 : i32
    %add3A_86 = vector.broadcast %add3A_85 : i32 to vector<16xi32>
    %add3A_87 = arith.addi %add3A_86, %shift_right_arithmetic3A_84 : vector<16xi32>
    %get3A_88 = arith.constant 16 : index
    %get3A_89 = tpu.vector_load %arg8[%get3A_88] {strides = array<i32>} : memref<576xf32, #tpu.memory_space<vmem>>, vector<16xf32>,
    tpu.vector_store_idx %arg7[%add3A_87, %add3A_75], %get3A_89 : memref<288x32xf32, #tpu.memory_space<vmem>>[vector<16xi32>, vector<16xi32>], vector<16xf32>,
    %shift_right_arithmetic3A_90 = arith.constant 1 : i32
    %shift_right_arithmetic3A_91 = vector.broadcast %shift_right_arithmetic3A_90 : i32 to vector<16xi32>
    %shift_right_arithmetic3A_92 = arith.shrsi %iota3A, %shift_right_arithmetic3A_91 : vector<16xi32>
    %add3A_93 = arith.constant 16 : i32
    %add3A_94 = vector.broadcast %add3A_93 : i32 to vector<16xi32>
    %add3A_95 = arith.addi %add3A_94, %shift_right_arithmetic3A_92 : vector<16xi32>
    %get3A_96 = arith.constant 32 : index
    %get3A_97 = tpu.vector_load %arg8[%get3A_96] {strides = array<i32>} : memref<576xf32, #tpu.memory_space<vmem>>, vector<16xf32>,
    tpu.vector_store_idx %arg7[%add3A_95, %add3A_75], %get3A_97 : memref<288x32xf32, #tpu.memory_space<vmem>>[vector<16xi32>, vector<16xi32>], vector<16xf32>,
    %shift_right_arithmetic3A_98 = arith.constant 1 : i32
    %shift_right_arithmetic3A_99 = vector.broadcast %shift_right_arithmetic3A_98 : i32 to vector<16xi32>
    %shift_right_arithmetic3A_100 = arith.shrsi %iota3A, %shift_right_arithmetic3A_99 : vector<16xi32>
    %add3A_101 = arith.constant 24 : i32
    %add3A_102 = vector.broadcast %add3A_101 : i32 to vector<16xi32>
    %add3A_103 = arith.addi %add3A_102, %shift_right_arithmetic3A_100 : vector<16xi32>
    %get3A_104 = arith.constant 48 : index
    %get3A_105 = tpu.vector_load %arg8[%get3A_104] {strides = array<i32>} : memref<576xf32, #tpu.memory_space<vmem>>, vector<16xf32>,
    tpu.vector_store_idx %arg7[%add3A_103, %add3A_75], %get3A_105 : memref<288x32xf32, #tpu.memory_space<vmem>>[vector<16xi32>, vector<16xi32>], vector<16xf32>,
    %shift_right_arithmetic3A_106 = arith.constant 1 : i32
    %shift_right_arithmetic3A_107 = vector.broadcast %shift_right_arithmetic3A_106 : i32 to vector<16xi32>
    %shift_right_arithmetic3A_108 = arith.shrsi %iota3A, %shift_right_arithmetic3A_107 : vector<16xi32>
    %add3A_109 = arith.constant 32 : i32
    %add3A_110 = vector.broadcast %add3A_109 : i32 to vector<16xi32>
    %add3A_111 = arith.addi %add3A_110, %shift_right_arithmetic3A_108 : vector<16xi32>
    %get3A_112 = arith.constant 64 : index
    %get3A_113 = tpu.vector_load %arg8[%get3A_112] {strides = array<i32>} : memref<576xf32, #tpu.memory_space<vmem>>, vector<16xf32>,
    tpu.vector_store_idx %arg7[%add3A_111, %add3A_75], %get3A_113 : memref<288x32xf32, #tpu.memory_space<vmem>>[vector<16xi32>, vector<16xi32>], vector<16xf32>,
    %shift_right_arithmetic3A_114 = arith.constant 1 : i32
    %shift_right_arithmetic3A_115 = vector.broadcast %shift_right_arithmetic3A_114 : i32 to vector<16xi32>
    %shift_right_arithmetic3A_116 = arith.shrsi %iota3A, %shift_right_arithmetic3A_115 : vector<16xi32>
    %add3A_117 = arith.constant 40 : i32
    %add3A_118 = vector.broadcast %add3A_117 : i32 to vector<16xi32>
    %add3A_119 = arith.addi %add3A_118, %shift_right_arithmetic3A_116 : vector<16xi32>
    %get3A_120 = arith.constant 80 : index
    %get3A_121 = tpu.vector_load %arg8[%get3A_120] {strides = array<i32>} : memref<576xf32, #tpu.memory_space<vmem>>, vector<16xf32>,
    tpu.vector_store_idx %arg7[%add3A_119, %add3A_75], %get3A_121 : memref<288x32xf32, #tpu.memory_space<vmem>>[vector<16xi32>, vector<16xi32>], vector<16xf32>,
    %shift_right_arithmetic3A_122 = arith.constant 1 : i32
    %shift_right_arithmetic3A_123 = vector.broadcast %shift_right_arithmetic3A_122 : i32 to vector<16xi32>
    %shift_right_arithmetic3A_124 = arith.shrsi %iota3A, %shift_right_arithmetic3A_123 : vector<16xi32>
    %add3A_125 = arith.constant 48 : i32
    %add3A_126 = vector.broadcast %add3A_125 : i32 to vector<16xi32>
    %add3A_127 = arith.addi %add3A_126, %shift_right_arithmetic3A_124 : vector<16xi32>
    %get3A_128 = arith.constant 96 : index
    %get3A_129 = tpu.vector_load %arg8[%get3A_128] {strides = array<i32>} : memref<576xf32, #tpu.memory_space<vmem>>, vector<16xf32>,
    tpu.vector_store_idx %arg7[%add3A_127, %add3A_75], %get3A_129 : memref<288x32xf32, #tpu.memory_space<vmem>>[vector<16xi32>, vector<16xi32>], vector<16xf32>,
    %shift_right_arithmetic3A_130 = arith.constant 1 : i32
    %shift_right_arithmetic3A_131 = vector.broadcast %shift_right_arithmetic3A_130 : i32 to vector<16xi32>
    %shift_right_arithmetic3A_132 = arith.shrsi %iota3A, %shift_right_arithmetic3A_131 : vector<16xi32>
    %add3A_133 = arith.constant 56 : i32
    %add3A_134 = vector.broadcast %add3A_133 : i32 to vector<16xi32>
    %add3A_135 = arith.addi %add3A_134, %shift_right_arithmetic3A_132 : vector<16xi32>
    %get3A_136 = arith.constant 112 : index
    %get3A_137 = tpu.vector_load %arg8[%get3A_136] {strides = array<i32>} : memref<576xf32, #tpu.memory_space<vmem>>, vector<16xf32>,
    tpu.vector_store_idx %arg7[%add3A_135, %add3A_75], %get3A_137 : memref<288x32xf32, #tpu.memory_space<vmem>>[vector<16xi32>, vector<16xi32>], vector<16xf32>,
    %shift_right_arithmetic3A_138 = arith.constant 1 : i32
    %shift_right_arithmetic3A_139 = vector.broadcast %shift_right_arithmetic3A_138 : i32 to vector<16xi32>
    %shift_right_arithmetic3A_140 = arith.shrsi %iota3A, %shift_right_arithmetic3A_139 : vector<16xi32>
    %add3A_141 = arith.constant 64 : i32
    %add3A_142 = vector.broadcast %add3A_141 : i32 to vector<16xi32>
    %add3A_143 = arith.addi %add3A_142, %shift_right_arithmetic3A_140 : vector<16xi32>
    %get3A_144 = arith.constant 128 : index
    %get3A_145 = tpu.vector_load %arg8[%get3A_144] {strides = array<i32>} : memref<576xf32, #tpu.memory_space<vmem>>, vector<16xf32>,
    tpu.vector_store_idx %arg7[%add3A_143, %add3A_75], %get3A_145 : memref<288x32xf32, #tpu.memory_space<vmem>>[vector<16xi32>, vector<16xi32>], vector<16xf32>,
    %shift_right_arithmetic3A_146 = arith.constant 1 : i32
    %shift_right_arithmetic3A_147 = vector.broadcast %shift_right_arithmetic3A_146 : i32 to vector<16xi32>
    %shift_right_arithmetic3A_148 = arith.shrsi %iota3A, %shift_right_arithmetic3A_147 : vector<16xi32>
    %add3A_149 = arith.constant 72 : i32
    %add3A_150 = vector.broadcast %add3A_149 : i32 to vector<16xi32>
    %add3A_151 = arith.addi %add3A_150, %shift_right_arithmetic3A_148 : vector<16xi32>
    %get3A_152 = arith.constant 144 : index
    %get3A_153 = tpu.vector_load %arg8[%get3A_152] {strides = array<i32>} : memref<576xf32, #tpu.memory_space<vmem>>, vector<16xf32>,
    tpu.vector_store_idx %arg7[%add3A_151, %add3A_75], %get3A_153 : memref<288x32xf32, #tpu.memory_space<vmem>>[vector<16xi32>, vector<16xi32>], vector<16xf32>,
    %shift_right_arithmetic3A_154 = arith.constant 1 : i32
    %shift_right_arithmetic3A_155 = vector.broadcast %shift_right_arithmetic3A_154 : i32 to vector<16xi32>
    %shift_right_arithmetic3A_156 = arith.shrsi %iota3A, %shift_right_arithmetic3A_155 : vector<16xi32>
    %add3A_157 = arith.constant 80 : i32
    %add3A_158 = vector.broadcast %add3A_157 : i32 to vector<16xi32>
    %add3A_159 = arith.addi %add3A_158, %shift_right_arithmetic3A_156 : vector<16xi32>
    %get3A_160 = arith.constant 160 : index
    %get3A_161 = tpu.vector_load %arg8[%get3A_160] {strides = array<i32>} : memref<576xf32, #tpu.memory_space<vmem>>, vector<16xf32>,
    tpu.vector_store_idx %arg7[%add3A_159, %add3A_75], %get3A_161 : memref<288x32xf32, #tpu.memory_space<vmem>>[vector<16xi32>, vector<16xi32>], vector<16xf32>,
    %shift_right_arithmetic3A_162 = arith.constant 1 : i32
    %shift_right_arithmetic3A_163 = vector.broadcast %shift_right_arithmetic3A_162 : i32 to vector<16xi32>
    %shift_right_arithmetic3A_164 = arith.shrsi %iota3A, %shift_right_arithmetic3A_163 : vector<16xi32>
    %add3A_165 = arith.constant 88 : i32
    %add3A_166 = vector.broadcast %add3A_165 : i32 to vector<16xi32>
    %add3A_167 = arith.addi %add3A_166, %shift_right_arithmetic3A_164 : vector<16xi32>
    %get3A_168 = arith.constant 176 : index
    %get3A_169 = tpu.vector_load %arg8[%get3A_168] {strides = array<i32>} : memref<576xf32, #tpu.memory_space<vmem>>, vector<16xf32>,
    tpu.vector_store_idx %arg7[%add3A_167, %add3A_75], %get3A_169 : memref<288x32xf32, #tpu.memory_space<vmem>>[vector<16xi32>, vector<16xi32>], vector<16xf32>,
    %shift_right_arithmetic3A_170 = arith.constant 1 : i32
    %shift_right_arithmetic3A_171 = vector.broadcast %shift_right_arithmetic3A_170 : i32 to vector<16xi32>
    %shift_right_arithmetic3A_172 = arith.shrsi %iota3A, %shift_right_arithmetic3A_171 : vector<16xi32>
    %add3A_173 = arith.constant 96 : i32
    %add3A_174 = vector.broadcast %add3A_173 : i32 to vector<16xi32>
    %add3A_175 = arith.addi %add3A_174, %shift_right_arithmetic3A_172 : vector<16xi32>
    %get3A_176 = arith.constant 192 : index
    %get3A_177 = tpu.vector_load %arg8[%get3A_176] {strides = array<i32>} : memref<576xf32, #tpu.memory_space<vmem>>, vector<16xf32>,
    tpu.vector_store_idx %arg7[%add3A_175, %add3A_75], %get3A_177 : memref<288x32xf32, #tpu.memory_space<vmem>>[vector<16xi32>, vector<16xi32>], vector<16xf32>,
    %shift_right_arithmetic3A_178 = arith.constant 1 : i32
    %shift_right_arithmetic3A_179 = vector.broadcast %shift_right_arithmetic3A_178 : i32 to vector<16xi32>
    %shift_right_arithmetic3A_180 = arith.shrsi %iota3A, %shift_right_arithmetic3A_179 : vector<16xi32>
    %add3A_181 = arith.constant 104 : i32
    %add3A_182 = vector.broadcast %add3A_181 : i32 to vector<16xi32>
    %add3A_183 = arith.addi %add3A_182, %shift_right_arithmetic3A_180 : vector<16xi32>
    %get3A_184 = arith.constant 208 : index
    %get3A_185 = tpu.vector_load %arg8[%get3A_184] {strides = array<i32>} : memref<576xf32, #tpu.memory_space<vmem>>, vector<16xf32>,
    tpu.vector_store_idx %arg7[%add3A_183, %add3A_75], %get3A_185 : memref<288x32xf32, #tpu.memory_space<vmem>>[vector<16xi32>, vector<16xi32>], vector<16xf32>,
    %shift_right_arithmetic3A_186 = arith.constant 1 : i32
    %shift_right_arithmetic3A_187 = vector.broadcast %shift_right_arithmetic3A_186 : i32 to vector<16xi32>
    %shift_right_arithmetic3A_188 = arith.shrsi %iota3A, %shift_right_arithmetic3A_187 : vector<16xi32>
    %add3A_189 = arith.constant 112 : i32
    %add3A_190 = vector.broadcast %add3A_189 : i32 to vector<16xi32>
    %add3A_191 = arith.addi %add3A_190, %shift_right_arithmetic3A_188 : vector<16xi32>
    %get3A_192 = arith.constant 224 : index
    %get3A_193 = tpu.vector_load %arg8[%get3A_192] {strides = array<i32>} : memref<576xf32, #tpu.memory_space<vmem>>, vector<16xf32>,
    tpu.vector_store_idx %arg7[%add3A_191, %add3A_75], %get3A_193 : memref<288x32xf32, #tpu.memory_space<vmem>>[vector<16xi32>, vector<16xi32>], vector<16xf32>,
    %shift_right_arithmetic3A_194 = arith.constant 1 : i32
    %shift_right_arithmetic3A_195 = vector.broadcast %shift_right_arithmetic3A_194 : i32 to vector<16xi32>
    %shift_right_arithmetic3A_196 = arith.shrsi %iota3A, %shift_right_arithmetic3A_195 : vector<16xi32>
    %add3A_197 = arith.constant 120 : i32
    %add3A_198 = vector.broadcast %add3A_197 : i32 to vector<16xi32>
    %add3A_199 = arith.addi %add3A_198, %shift_right_arithmetic3A_196 : vector<16xi32>
    %get3A_200 = arith.constant 240 : index
    %get3A_201 = tpu.vector_load %arg8[%get3A_200] {strides = array<i32>} : memref<576xf32, #tpu.memory_space<vmem>>, vector<16xf32>,
    tpu.vector_store_idx %arg7[%add3A_199, %add3A_75], %get3A_201 : memref<288x32xf32, #tpu.memory_space<vmem>>[vector<16xi32>, vector<16xi32>], vector<16xf32>,
    %shift_right_arithmetic3A_202 = arith.constant 1 : i32
    %shift_right_arithmetic3A_203 = vector.broadcast %shift_right_arithmetic3A_202 : i32 to vector<16xi32>
    %shift_right_arithmetic3A_204 = arith.shrsi %iota3A, %shift_right_arithmetic3A_203 : vector<16xi32>
    %add3A_205 = arith.constant 128 : i32
    %add3A_206 = vector.broadcast %add3A_205 : i32 to vector<16xi32>
    %add3A_207 = arith.addi %add3A_206, %shift_right_arithmetic3A_204 : vector<16xi32>
    %get3A_208 = arith.constant 256 : index
    %get3A_209 = tpu.vector_load %arg8[%get3A_208] {strides = array<i32>} : memref<576xf32, #tpu.memory_space<vmem>>, vector<16xf32>,
    tpu.vector_store_idx %arg7[%add3A_207, %add3A_75], %get3A_209 : memref<288x32xf32, #tpu.memory_space<vmem>>[vector<16xi32>, vector<16xi32>], vector<16xf32>,
    %shift_right_arithmetic3A_210 = arith.constant 1 : i32
    %shift_right_arithmetic3A_211 = vector.broadcast %shift_right_arithmetic3A_210 : i32 to vector<16xi32>
    %shift_right_arithmetic3A_212 = arith.shrsi %iota3A, %shift_right_arithmetic3A_211 : vector<16xi32>
    %add3A_213 = arith.constant 136 : i32
    %add3A_214 = vector.broadcast %add3A_213 : i32 to vector<16xi32>
    %add3A_215 = arith.addi %add3A_214, %shift_right_arithmetic3A_212 : vector<16xi32>
    %get3A_216 = arith.constant 272 : index
    %get3A_217 = tpu.vector_load %arg8[%get3A_216] {strides = array<i32>} : memref<576xf32, #tpu.memory_space<vmem>>, vector<16xf32>,
    tpu.vector_store_idx %arg7[%add3A_215, %add3A_75], %get3A_217 : memref<288x32xf32, #tpu.memory_space<vmem>>[vector<16xi32>, vector<16xi32>], vector<16xf32>,
    %shift_right_arithmetic3A_218 = arith.constant 1 : i32
    %shift_right_arithmetic3A_219 = vector.broadcast %shift_right_arithmetic3A_218 : i32 to vector<16xi32>
    %shift_right_arithmetic3A_220 = arith.shrsi %iota3A, %shift_right_arithmetic3A_219 : vector<16xi32>
    %add3A_221 = arith.constant 144 : i32
    %add3A_222 = vector.broadcast %add3A_221 : i32 to vector<16xi32>
    %add3A_223 = arith.addi %add3A_222, %shift_right_arithmetic3A_220 : vector<16xi32>
    %get3A_224 = arith.constant 288 : index
    %get3A_225 = tpu.vector_load %arg8[%get3A_224] {strides = array<i32>} : memref<576xf32, #tpu.memory_space<vmem>>, vector<16xf32>,
    tpu.vector_store_idx %arg7[%add3A_223, %add3A_75], %get3A_225 : memref<288x32xf32, #tpu.memory_space<vmem>>[vector<16xi32>, vector<16xi32>], vector<16xf32>,
    %shift_right_arithmetic3A_226 = arith.constant 1 : i32
    %shift_right_arithmetic3A_227 = vector.broadcast %shift_right_arithmetic3A_226 : i32 to vector<16xi32>
    %shift_right_arithmetic3A_228 = arith.shrsi %iota3A, %shift_right_arithmetic3A_227 : vector<16xi32>
    %add3A_229 = arith.constant 152 : i32
    %add3A_230 = vector.broadcast %add3A_229 : i32 to vector<16xi32>
    %add3A_231 = arith.addi %add3A_230, %shift_right_arithmetic3A_228 : vector<16xi32>
    %get3A_232 = arith.constant 304 : index
    %get3A_233 = tpu.vector_load %arg8[%get3A_232] {strides = array<i32>} : memref<576xf32, #tpu.memory_space<vmem>>, vector<16xf32>,
    tpu.vector_store_idx %arg7[%add3A_231, %add3A_75], %get3A_233 : memref<288x32xf32, #tpu.memory_space<vmem>>[vector<16xi32>, vector<16xi32>], vector<16xf32>,
    %shift_right_arithmetic3A_234 = arith.constant 1 : i32
    %shift_right_arithmetic3A_235 = vector.broadcast %shift_right_arithmetic3A_234 : i32 to vector<16xi32>
    %shift_right_arithmetic3A_236 = arith.shrsi %iota3A, %shift_right_arithmetic3A_235 : vector<16xi32>
    %add3A_237 = arith.constant 160 : i32
    %add3A_238 = vector.broadcast %add3A_237 : i32 to vector<16xi32>
    %add3A_239 = arith.addi %add3A_238, %shift_right_arithmetic3A_236 : vector<16xi32>
    %get3A_240 = arith.constant 320 : index
    %get3A_241 = tpu.vector_load %arg8[%get3A_240] {strides = array<i32>} : memref<576xf32, #tpu.memory_space<vmem>>, vector<16xf32>,
    tpu.vector_store_idx %arg7[%add3A_239, %add3A_75], %get3A_241 : memref<288x32xf32, #tpu.memory_space<vmem>>[vector<16xi32>, vector<16xi32>], vector<16xf32>,
    %shift_right_arithmetic3A_242 = arith.constant 1 : i32
    %shift_right_arithmetic3A_243 = vector.broadcast %shift_right_arithmetic3A_242 : i32 to vector<16xi32>
    %shift_right_arithmetic3A_244 = arith.shrsi %iota3A, %shift_right_arithmetic3A_243 : vector<16xi32>
    %add3A_245 = arith.constant 168 : i32
    %add3A_246 = vector.broadcast %add3A_245 : i32 to vector<16xi32>
    %add3A_247 = arith.addi %add3A_246, %shift_right_arithmetic3A_244 : vector<16xi32>
    %get3A_248 = arith.constant 336 : index
    %get3A_249 = tpu.vector_load %arg8[%get3A_248] {strides = array<i32>} : memref<576xf32, #tpu.memory_space<vmem>>, vector<16xf32>,
    tpu.vector_store_idx %arg7[%add3A_247, %add3A_75], %get3A_249 : memref<288x32xf32, #tpu.memory_space<vmem>>[vector<16xi32>, vector<16xi32>], vector<16xf32>,
    %shift_right_arithmetic3A_250 = arith.constant 1 : i32
    %shift_right_arithmetic3A_251 = vector.broadcast %shift_right_arithmetic3A_250 : i32 to vector<16xi32>
    %shift_right_arithmetic3A_252 = arith.shrsi %iota3A, %shift_right_arithmetic3A_251 : vector<16xi32>
    %add3A_253 = arith.constant 176 : i32
    %add3A_254 = vector.broadcast %add3A_253 : i32 to vector<16xi32>
    %add3A_255 = arith.addi %add3A_254, %shift_right_arithmetic3A_252 : vector<16xi32>
    %get3A_256 = arith.constant 352 : index
    %get3A_257 = tpu.vector_load %arg8[%get3A_256] {strides = array<i32>} : memref<576xf32, #tpu.memory_space<vmem>>, vector<16xf32>,
    tpu.vector_store_idx %arg7[%add3A_255, %add3A_75], %get3A_257 : memref<288x32xf32, #tpu.memory_space<vmem>>[vector<16xi32>, vector<16xi32>], vector<16xf32>,
    %shift_right_arithmetic3A_258 = arith.constant 1 : i32
    %shift_right_arithmetic3A_259 = vector.broadcast %shift_right_arithmetic3A_258 : i32 to vector<16xi32>
    %shift_right_arithmetic3A_260 = arith.shrsi %iota3A, %shift_right_arithmetic3A_259 : vector<16xi32>
    %add3A_261 = arith.constant 184 : i32
    %add3A_262 = vector.broadcast %add3A_261 : i32 to vector<16xi32>
    %add3A_263 = arith.addi %add3A_262, %shift_right_arithmetic3A_260 : vector<16xi32>
    %get3A_264 = arith.constant 368 : index
    %get3A_265 = tpu.vector_load %arg8[%get3A_264] {strides = array<i32>} : memref<576xf32, #tpu.memory_space<vmem>>, vector<16xf32>,
    tpu.vector_store_idx %arg7[%add3A_263, %add3A_75], %get3A_265 : memref<288x32xf32, #tpu.memory_space<vmem>>[vector<16xi32>, vector<16xi32>], vector<16xf32>,
    %shift_right_arithmetic3A_266 = arith.constant 1 : i32
    %shift_right_arithmetic3A_267 = vector.broadcast %shift_right_arithmetic3A_266 : i32 to vector<16xi32>
    %shift_right_arithmetic3A_268 = arith.shrsi %iota3A, %shift_right_arithmetic3A_267 : vector<16xi32>
    %add3A_269 = arith.constant 192 : i32
    %add3A_270 = vector.broadcast %add3A_269 : i32 to vector<16xi32>
    %add3A_271 = arith.addi %add3A_270, %shift_right_arithmetic3A_268 : vector<16xi32>
    %get3A_272 = arith.constant 384 : index
    %get3A_273 = tpu.vector_load %arg8[%get3A_272] {strides = array<i32>} : memref<576xf32, #tpu.memory_space<vmem>>, vector<16xf32>,
    tpu.vector_store_idx %arg7[%add3A_271, %add3A_75], %get3A_273 : memref<288x32xf32, #tpu.memory_space<vmem>>[vector<16xi32>, vector<16xi32>], vector<16xf32>,
    %shift_right_arithmetic3A_274 = arith.constant 1 : i32
    %shift_right_arithmetic3A_275 = vector.broadcast %shift_right_arithmetic3A_274 : i32 to vector<16xi32>
    %shift_right_arithmetic3A_276 = arith.shrsi %iota3A, %shift_right_arithmetic3A_275 : vector<16xi32>
    %add3A_277 = arith.constant 200 : i32
    %add3A_278 = vector.broadcast %add3A_277 : i32 to vector<16xi32>
    %add3A_279 = arith.addi %add3A_278, %shift_right_arithmetic3A_276 : vector<16xi32>
    %get3A_280 = arith.constant 400 : index
    %get3A_281 = tpu.vector_load %arg8[%get3A_280] {strides = array<i32>} : memref<576xf32, #tpu.memory_space<vmem>>, vector<16xf32>,
    tpu.vector_store_idx %arg7[%add3A_279, %add3A_75], %get3A_281 : memref<288x32xf32, #tpu.memory_space<vmem>>[vector<16xi32>, vector<16xi32>], vector<16xf32>,
    %shift_right_arithmetic3A_282 = arith.constant 1 : i32
    %shift_right_arithmetic3A_283 = vector.broadcast %shift_right_arithmetic3A_282 : i32 to vector<16xi32>
    %shift_right_arithmetic3A_284 = arith.shrsi %iota3A, %shift_right_arithmetic3A_283 : vector<16xi32>
    %add3A_285 = arith.constant 208 : i32
    %add3A_286 = vector.broadcast %add3A_285 : i32 to vector<16xi32>
    %add3A_287 = arith.addi %add3A_286, %shift_right_arithmetic3A_284 : vector<16xi32>
    %get3A_288 = arith.constant 416 : index
    %get3A_289 = tpu.vector_load %arg8[%get3A_288] {strides = array<i32>} : memref<576xf32, #tpu.memory_space<vmem>>, vector<16xf32>,
    tpu.vector_store_idx %arg7[%add3A_287, %add3A_75], %get3A_289 : memref<288x32xf32, #tpu.memory_space<vmem>>[vector<16xi32>, vector<16xi32>], vector<16xf32>,
    %shift_right_arithmetic3A_290 = arith.constant 1 : i32
    %shift_right_arithmetic3A_291 = vector.broadcast %shift_right_arithmetic3A_290 : i32 to vector<16xi32>
    %shift_right_arithmetic3A_292 = arith.shrsi %iota3A, %shift_right_arithmetic3A_291 : vector<16xi32>
    %add3A_293 = arith.constant 216 : i32
    %add3A_294 = vector.broadcast %add3A_293 : i32 to vector<16xi32>
    %add3A_295 = arith.addi %add3A_294, %shift_right_arithmetic3A_292 : vector<16xi32>
    %get3A_296 = arith.constant 432 : index
    %get3A_297 = tpu.vector_load %arg8[%get3A_296] {strides = array<i32>} : memref<576xf32, #tpu.memory_space<vmem>>, vector<16xf32>,
    tpu.vector_store_idx %arg7[%add3A_295, %add3A_75], %get3A_297 : memref<288x32xf32, #tpu.memory_space<vmem>>[vector<16xi32>, vector<16xi32>], vector<16xf32>,
    %shift_right_arithmetic3A_298 = arith.constant 1 : i32
    %shift_right_arithmetic3A_299 = vector.broadcast %shift_right_arithmetic3A_298 : i32 to vector<16xi32>
    %shift_right_arithmetic3A_300 = arith.shrsi %iota3A, %shift_right_arithmetic3A_299 : vector<16xi32>
    %add3A_301 = arith.constant 224 : i32
    %add3A_302 = vector.broadcast %add3A_301 : i32 to vector<16xi32>
    %add3A_303 = arith.addi %add3A_302, %shift_right_arithmetic3A_300 : vector<16xi32>
    %get3A_304 = arith.constant 448 : index
    %get3A_305 = tpu.vector_load %arg8[%get3A_304] {strides = array<i32>} : memref<576xf32, #tpu.memory_space<vmem>>, vector<16xf32>,
    tpu.vector_store_idx %arg7[%add3A_303, %add3A_75], %get3A_305 : memref<288x32xf32, #tpu.memory_space<vmem>>[vector<16xi32>, vector<16xi32>], vector<16xf32>,
    %shift_right_arithmetic3A_306 = arith.constant 1 : i32
    %shift_right_arithmetic3A_307 = vector.broadcast %shift_right_arithmetic3A_306 : i32 to vector<16xi32>
    %shift_right_arithmetic3A_308 = arith.shrsi %iota3A, %shift_right_arithmetic3A_307 : vector<16xi32>
    %add3A_309 = arith.constant 232 : i32
    %add3A_310 = vector.broadcast %add3A_309 : i32 to vector<16xi32>
    %add3A_311 = arith.addi %add3A_310, %shift_right_arithmetic3A_308 : vector<16xi32>
    %get3A_312 = arith.constant 464 : index
    %get3A_313 = tpu.vector_load %arg8[%get3A_312] {strides = array<i32>} : memref<576xf32, #tpu.memory_space<vmem>>, vector<16xf32>,
    tpu.vector_store_idx %arg7[%add3A_311, %add3A_75], %get3A_313 : memref<288x32xf32, #tpu.memory_space<vmem>>[vector<16xi32>, vector<16xi32>], vector<16xf32>,
    %shift_right_arithmetic3A_314 = arith.constant 1 : i32
    %shift_right_arithmetic3A_315 = vector.broadcast %shift_right_arithmetic3A_314 : i32 to vector<16xi32>
    %shift_right_arithmetic3A_316 = arith.shrsi %iota3A, %shift_right_arithmetic3A_315 : vector<16xi32>
    %add3A_317 = arith.constant 240 : i32
    %add3A_318 = vector.broadcast %add3A_317 : i32 to vector<16xi32>
    %add3A_319 = arith.addi %add3A_318, %shift_right_arithmetic3A_316 : vector<16xi32>
    %get3A_320 = arith.constant 480 : index
    %get3A_321 = tpu.vector_load %arg8[%get3A_320] {strides = array<i32>} : memref<576xf32, #tpu.memory_space<vmem>>, vector<16xf32>,
    tpu.vector_store_idx %arg7[%add3A_319, %add3A_75], %get3A_321 : memref<288x32xf32, #tpu.memory_space<vmem>>[vector<16xi32>, vector<16xi32>], vector<16xf32>,
    %shift_right_arithmetic3A_322 = arith.constant 1 : i32
    %shift_right_arithmetic3A_323 = vector.broadcast %shift_right_arithmetic3A_322 : i32 to vector<16xi32>
    %shift_right_arithmetic3A_324 = arith.shrsi %iota3A, %shift_right_arithmetic3A_323 : vector<16xi32>
    %add3A_325 = arith.constant 248 : i32
    %add3A_326 = vector.broadcast %add3A_325 : i32 to vector<16xi32>
    %add3A_327 = arith.addi %add3A_326, %shift_right_arithmetic3A_324 : vector<16xi32>
    %get3A_328 = arith.constant 496 : index
    %get3A_329 = tpu.vector_load %arg8[%get3A_328] {strides = array<i32>} : memref<576xf32, #tpu.memory_space<vmem>>, vector<16xf32>,
    tpu.vector_store_idx %arg7[%add3A_327, %add3A_75], %get3A_329 : memref<288x32xf32, #tpu.memory_space<vmem>>[vector<16xi32>, vector<16xi32>], vector<16xf32>,
    %shift_right_arithmetic3A_330 = arith.constant 1 : i32
    %shift_right_arithmetic3A_331 = vector.broadcast %shift_right_arithmetic3A_330 : i32 to vector<16xi32>
    %shift_right_arithmetic3A_332 = arith.shrsi %iota3A, %shift_right_arithmetic3A_331 : vector<16xi32>
    %add3A_333 = arith.constant 256 : i32
    %add3A_334 = vector.broadcast %add3A_333 : i32 to vector<16xi32>
    %add3A_335 = arith.addi %add3A_334, %shift_right_arithmetic3A_332 : vector<16xi32>
    %get3A_336 = arith.constant 512 : index
    %get3A_337 = tpu.vector_load %arg8[%get3A_336] {strides = array<i32>} : memref<576xf32, #tpu.memory_space<vmem>>, vector<16xf32>,
    tpu.vector_store_idx %arg7[%add3A_335, %add3A_75], %get3A_337 : memref<288x32xf32, #tpu.memory_space<vmem>>[vector<16xi32>, vector<16xi32>], vector<16xf32>,
    %shift_right_arithmetic3A_338 = arith.constant 1 : i32
    %shift_right_arithmetic3A_339 = vector.broadcast %shift_right_arithmetic3A_338 : i32 to vector<16xi32>
    %shift_right_arithmetic3A_340 = arith.shrsi %iota3A, %shift_right_arithmetic3A_339 : vector<16xi32>
    %add3A_341 = arith.constant 264 : i32
    %add3A_342 = vector.broadcast %add3A_341 : i32 to vector<16xi32>
    %add3A_343 = arith.addi %add3A_342, %shift_right_arithmetic3A_340 : vector<16xi32>
    %get3A_344 = arith.constant 528 : index
    %get3A_345 = tpu.vector_load %arg8[%get3A_344] {strides = array<i32>} : memref<576xf32, #tpu.memory_space<vmem>>, vector<16xf32>,
    tpu.vector_store_idx %arg7[%add3A_343, %add3A_75], %get3A_345 : memref<288x32xf32, #tpu.memory_space<vmem>>[vector<16xi32>, vector<16xi32>], vector<16xf32>,
    %shift_right_arithmetic3A_346 = arith.constant 1 : i32
    %shift_right_arithmetic3A_347 = vector.broadcast %shift_right_arithmetic3A_346 : i32 to vector<16xi32>
    %shift_right_arithmetic3A_348 = arith.shrsi %iota3A, %shift_right_arithmetic3A_347 : vector<16xi32>
    %add3A_349 = arith.constant 272 : i32
    %add3A_350 = vector.broadcast %add3A_349 : i32 to vector<16xi32>
    %add3A_351 = arith.addi %add3A_350, %shift_right_arithmetic3A_348 : vector<16xi32>
    %get3A_352 = arith.constant 544 : index
    %get3A_353 = tpu.vector_load %arg8[%get3A_352] {strides = array<i32>} : memref<576xf32, #tpu.memory_space<vmem>>, vector<16xf32>,
    tpu.vector_store_idx %arg7[%add3A_351, %add3A_75], %get3A_353 : memref<288x32xf32, #tpu.memory_space<vmem>>[vector<16xi32>, vector<16xi32>], vector<16xf32>,
    %shift_right_arithmetic3A_354 = arith.constant 1 : i32
    %shift_right_arithmetic3A_355 = vector.broadcast %shift_right_arithmetic3A_354 : i32 to vector<16xi32>
    %shift_right_arithmetic3A_356 = arith.shrsi %iota3A, %shift_right_arithmetic3A_355 : vector<16xi32>
    %add3A_357 = arith.constant 280 : i32
    %add3A_358 = vector.broadcast %add3A_357 : i32 to vector<16xi32>
    %add3A_359 = arith.addi %add3A_358, %shift_right_arithmetic3A_356 : vector<16xi32>
    %get3A_360 = arith.constant 560 : index
    %get3A_361 = tpu.vector_load %arg8[%get3A_360] {strides = array<i32>} : memref<576xf32, #tpu.memory_space<vmem>>, vector<16xf32>,
    tpu.vector_store_idx %arg7[%add3A_359, %add3A_75], %get3A_361 : memref<288x32xf32, #tpu.memory_space<vmem>>[vector<16xi32>, vector<16xi32>], vector<16xf32>,
    "tpu.region"() ({
      %run_scoped3A_362 = tpu.sem_alloc : memref<!tpu.dma_semaphore, #tpu.memory_space<semaphore_mem>>
      %dma_start3A_363 = arith.constant 0 : i32
      %dma_start3A_364 = tpu.memref_slice %arg5[%mul3A_2, %dma_start3A_363] : memref<9216x32xf32, #tpu.memory_space<hbm>> -> memref<288x32xf32, #tpu.memory_space<hbm>>
      %dma_start3A_365 = arith.constant 0 : i32
      %dma_start3A_366 = tpu.memref_slice %arg5[%mul3A_2, %dma_start3A_365] : memref<9216x32xf32, #tpu.memory_space<hbm>> -> memref<288x32xf32, #tpu.memory_space<hbm>>
      tpu.enqueue_dma source(%arg7 : memref<288x32xf32, #tpu.memory_space<vmem>>) target(%dma_start3A_366 : memref<288x32xf32, #tpu.memory_space<hbm>>) target_semaphore(%run_scoped3A_362 : memref<!tpu.dma_semaphore, #tpu.memory_space<semaphore_mem>>)
      %dma_wait3A_367 = arith.constant 0 : i32
      %dma_wait3A_368 = tpu.memref_slice %arg5[%mul3A_2, %dma_wait3A_367] : memref<9216x32xf32, #tpu.memory_space<hbm>> -> memref<288x32xf32, #tpu.memory_space<hbm>>
      %dma_wait3A_369 = arith.constant 0 : i32
      %dma_wait3A_370 = tpu.memref_slice %arg5[%mul3A_2, %dma_wait3A_369] : memref<9216x32xf32, #tpu.memory_space<hbm>> -> memref<288x32xf32, #tpu.memory_space<hbm>>
      tpu.wait_dma2 semaphore(%run_scoped3A_362 : memref<!tpu.dma_semaphore, #tpu.memory_space<semaphore_mem>>) src(%arg7 : memref<288x32xf32, #tpu.memory_space<vmem>>) dst(%dma_wait3A_370 : memref<288x32xf32, #tpu.memory_space<hbm>>)
      tpu.yield
    }) : () -> ()
    return
  }
}

module attributes {stable_mosaic.version = 14 : i64} {
  func.func @_prep_body(%arg0: i32, %arg1: memref<1x256x512xf32, #tpu.memory_space<vmem>>, %arg2: memref<1x2x512xf32, #tpu.memory_space<vmem>>, %arg3: memref<256x256xf32, #tpu.memory_space<vmem>>, %arg4: memref<256x256xf32, #tpu.memory_space<vmem>>, %arg5: memref<8x256xf32, #tpu.memory_space<vmem>>, %arg6: memref<8x256xf32, #tpu.memory_space<vmem>>, %arg7: memref<1x5x32x512xf32, #tpu.memory_space<vmem>>, %arg8: memref<1x8x512xf32, #tpu.memory_space<vmem>>) attributes {dimension_semantics = [#tpu.dimension_semantics<arbitrary>], iteration_bounds = array<i64: 2>, scalar_prefetch = 0 : i64, scratch_operands = 0 : i64, tpu.core_type = #tpu.core_type<tc>, window_params = [{transform_indices = @transform_0, window_bounds = array<i64: 1, 256, 512>}, {transform_indices = @transform_1, window_bounds = array<i64: 1, 2, 512>}, {pipeline_mode = #tpu.pipeline_mode<synchronous>, transform_indices = @transform_2, window_bounds = array<i64: 256, 256>}, {pipeline_mode = #tpu.pipeline_mode<synchronous>, transform_indices = @transform_3, window_bounds = array<i64: 256, 256>}, {pipeline_mode = #tpu.pipeline_mode<synchronous>, transform_indices = @transform_4, window_bounds = array<i64: 8, 256>}, {pipeline_mode = #tpu.pipeline_mode<synchronous>, transform_indices = @transform_5, window_bounds = array<i64: 8, 256>}, {transform_indices = @transform_6, window_bounds = array<i64: 1, 5, 32, 512>}, {transform_indices = @transform_7, window_bounds = array<i64: 1, 8, 512>}]} {
    %get3A = arith.constant 0 : index
    %get3A_0 = arith.constant 0 : index
    %get3A_1 = arith.constant 0 : index
    %get3A_2 = vector.load %arg1[%get3A, %get3A_0, %get3A_1] : memref<1x256x512xf32, #tpu.memory_space<vmem>>, vector<1x256x512xf32>
    %get3A_3 = vector.shape_cast %get3A_2 : vector<1x256x512xf32> to vector<256x512xf32>
    %get3A_4 = arith.constant 0 : index
    %get3A_5 = arith.constant 0 : index
    %get3A_6 = vector.load %arg3[%get3A_4, %get3A_5] : memref<256x256xf32, #tpu.memory_space<vmem>>, vector<256x256xf32>
    %dot_general3A = arith.constant dense<0.000000e+00> : vector<256x512xf32>
    %dot_general3A_7 = tpu.matmul %get3A_6, %get3A_3, %dot_general3A {dimension_numbers = #tpu.dot_dimension_numbers<[1], [0], [0], [1], [0, 0, 1, 1], [], []>, transpose_lhs_hint = false} : vector<256x256xf32>, vector<256x512xf32>, vector<256x512xf32> -> vector<256x512xf32>
    %get3A_8 = arith.constant 0 : index
    %get3A_9 = arith.constant 0 : index
    %get3A_10 = vector.load %arg4[%get3A_8, %get3A_9] : memref<256x256xf32, #tpu.memory_space<vmem>>, vector<256x256xf32>
    %dot_general3A_11 = arith.constant dense<0.000000e+00> : vector<256x512xf32>
    %dot_general3A_12 = tpu.matmul %get3A_10, %get3A_3, %dot_general3A_11 {dimension_numbers = #tpu.dot_dimension_numbers<[1], [0], [0], [1], [0, 0, 1, 1], [], []>, transpose_lhs_hint = false} : vector<256x256xf32>, vector<256x512xf32>, vector<256x512xf32> -> vector<256x512xf32>
    %get3A_13 = arith.constant 0 : index
    %get3A_14 = arith.constant 0 : index
    %get3A_15 = arith.constant 0 : index
    %get3A_16 = vector.load %arg2[%get3A_13, %get3A_14, %get3A_15] : memref<1x2x512xf32, #tpu.memory_space<vmem>>, vector<1x2x512xf32>
    %get3A_17 = vector.shape_cast %get3A_16 : vector<1x2x512xf32> to vector<2x512xf32>
    %div3A = arith.constant 2.000000e-01 : f32
    %div3A_18 = vector.broadcast %div3A : f32 to vector<2x512xf32>
    %div3A_19 = arith.divf %get3A_17, %div3A_18 : vector<2x512xf32>
    %add3A = arith.constant 2.560000e+02 : f32
    %add3A_20 = vector.broadcast %add3A : f32 to vector<2x512xf32>
    %add3A_21 = arith.addf %div3A_19, %add3A_20 : vector<2x512xf32>
    %slice3A = vector.extract_strided_slice %add3A_21 {offsets = [0, 0], sizes = [1, 512], strides = [1, 1]} : vector<2x512xf32> to vector<1x512xf32>
    %slice3A_22 = vector.extract_strided_slice %add3A_21 {offsets = [1, 0], sizes = [1, 512], strides = [1, 1]} : vector<2x512xf32> to vector<1x512xf32>
    %mul3A = arith.constant 7.62939453E-6 : f32
    %mul3A_23 = vector.broadcast %mul3A : f32 to vector<1x512xf32>
    %mul3A_24 = arith.mulf %mul3A_23, %slice3A : vector<1x512xf32>
    %mul3A_25 = arith.constant 7.62939453E-6 : f32
    %mul3A_26 = vector.broadcast %mul3A_25 : f32 to vector<1x512xf32>
    %mul3A_27 = arith.mulf %mul3A_26, %slice3A_22 : vector<1x512xf32>
    %mul3A_28 = arith.mulf %slice3A, %slice3A : vector<1x512xf32>
    %mul3A_29 = arith.mulf %slice3A_22, %slice3A_22 : vector<1x512xf32>
    %add3A_30 = arith.addf %mul3A_28, %mul3A_29 : vector<1x512xf32>
    %mul3A_31 = arith.constant -3.81469727E-6 : f32
    %mul3A_32 = vector.broadcast %mul3A_31 : f32 to vector<1x512xf32>
    %mul3A_33 = arith.mulf %mul3A_32, %add3A_30 : vector<1x512xf32>
    %get3A_34 = arith.constant 0 : index
    %get3A_35 = arith.constant 0 : index
    %get3A_36 = vector.load %arg6[%get3A_34, %get3A_35] : memref<8x256xf32, #tpu.memory_space<vmem>>, vector<8x256xf32>
    %dot_general3A_37 = arith.constant dense<0.000000e+00> : vector<8x512xf32>
    %dot_general3A_38 = tpu.matmul %get3A_36, %dot_general3A_7, %dot_general3A_37 {dimension_numbers = #tpu.dot_dimension_numbers<[1], [0], [0], [1], [0, 0, 1, 1], [], []>, transpose_lhs_hint = false} : vector<8x256xf32>, vector<256x512xf32>, vector<8x512xf32> -> vector<8x512xf32>
    %slice3A_39 = vector.extract_strided_slice %dot_general3A_38 {offsets = [0, 0], sizes = [6, 512], strides = [1, 1]} : vector<8x512xf32> to vector<6x512xf32>
    %broadcast_in_dim3A = arith.constant 0.000000e+00 : f32
    %broadcast_in_dim3A_40 = vector.broadcast %broadcast_in_dim3A : f32 to vector<24x512xf32>
    %concatenate3A = tpu.concatenate %slice3A_39, %broadcast_in_dim3A_40, %mul3A_24, %mul3A_27 in 0 : vector<6x512xf32>, vector<24x512xf32>, vector<1x512xf32>, vector<1x512xf32> -> vector<32x512xf32>
    %swap3A = arith.constant 0 : index
    %swap3A_41 = arith.constant 0 : index
    %swap3A_42 = arith.constant 0 : index
    %swap3A_43 = arith.constant 0 : index
    %swap3A_44 = vector.load %arg7[%swap3A, %swap3A_41, %swap3A_42, %swap3A_43] : memref<1x5x32x512xf32, #tpu.memory_space<vmem>>, vector<1x1x32x512xf32>
    %swap3A_45 = vector.shape_cast %swap3A_44 : vector<1x1x32x512xf32> to vector<32x512xf32>
    %swap3A_46 = vector.shape_cast %concatenate3A : vector<32x512xf32> to vector<1x1x32x512xf32>
    tpu.vector_store %arg7[%swap3A, %swap3A_41, %swap3A_42, %swap3A_43], %swap3A_46 {strides = array<i32>} : memref<1x5x32x512xf32, #tpu.memory_space<vmem>>, vector<1x1x32x512xf32>,
    %broadcast_in_dim3A_47 = arith.constant 0.000000e+00 : f32
    %broadcast_in_dim3A_48 = vector.broadcast %broadcast_in_dim3A_47 : f32 to vector<6x512xf32>
    %broadcast_in_dim3A_49 = arith.constant 0.000000e+00 : f32
    %broadcast_in_dim3A_50 = vector.broadcast %broadcast_in_dim3A_49 : f32 to vector<18x512xf32>
    %concatenate3A_51 = tpu.concatenate %broadcast_in_dim3A_48, %slice3A_39, %broadcast_in_dim3A_50, %mul3A_24, %mul3A_27 in 0 : vector<6x512xf32>, vector<6x512xf32>, vector<18x512xf32>, vector<1x512xf32>, vector<1x512xf32> -> vector<32x512xf32>
    %swap3A_52 = arith.constant 0 : index
    %swap3A_53 = arith.constant 1 : index
    %swap3A_54 = arith.constant 0 : index
    %swap3A_55 = arith.constant 0 : index
    %swap3A_56 = vector.load %arg7[%swap3A_52, %swap3A_53, %swap3A_54, %swap3A_55] : memref<1x5x32x512xf32, #tpu.memory_space<vmem>>, vector<1x1x32x512xf32>
    %swap3A_57 = vector.shape_cast %swap3A_56 : vector<1x1x32x512xf32> to vector<32x512xf32>
    %swap3A_58 = vector.shape_cast %concatenate3A_51 : vector<32x512xf32> to vector<1x1x32x512xf32>
    tpu.vector_store %arg7[%swap3A_52, %swap3A_53, %swap3A_54, %swap3A_55], %swap3A_58 {strides = array<i32>} : memref<1x5x32x512xf32, #tpu.memory_space<vmem>>, vector<1x1x32x512xf32>,
    %broadcast_in_dim3A_59 = arith.constant 0.000000e+00 : f32
    %broadcast_in_dim3A_60 = vector.broadcast %broadcast_in_dim3A_59 : f32 to vector<12x512xf32>
    %broadcast_in_dim3A_61 = arith.constant 0.000000e+00 : f32
    %broadcast_in_dim3A_62 = vector.broadcast %broadcast_in_dim3A_61 : f32 to vector<12x512xf32>
    %concatenate3A_63 = tpu.concatenate %broadcast_in_dim3A_60, %slice3A_39, %broadcast_in_dim3A_62, %mul3A_24, %mul3A_27 in 0 : vector<12x512xf32>, vector<6x512xf32>, vector<12x512xf32>, vector<1x512xf32>, vector<1x512xf32> -> vector<32x512xf32>
    %swap3A_64 = arith.constant 0 : index
    %swap3A_65 = arith.constant 2 : index
    %swap3A_66 = arith.constant 0 : index
    %swap3A_67 = arith.constant 0 : index
    %swap3A_68 = vector.load %arg7[%swap3A_64, %swap3A_65, %swap3A_66, %swap3A_67] : memref<1x5x32x512xf32, #tpu.memory_space<vmem>>, vector<1x1x32x512xf32>
    %swap3A_69 = vector.shape_cast %swap3A_68 : vector<1x1x32x512xf32> to vector<32x512xf32>
    %swap3A_70 = vector.shape_cast %concatenate3A_63 : vector<32x512xf32> to vector<1x1x32x512xf32>
    tpu.vector_store %arg7[%swap3A_64, %swap3A_65, %swap3A_66, %swap3A_67], %swap3A_70 {strides = array<i32>} : memref<1x5x32x512xf32, #tpu.memory_space<vmem>>, vector<1x1x32x512xf32>,
    %broadcast_in_dim3A_71 = arith.constant 0.000000e+00 : f32
    %broadcast_in_dim3A_72 = vector.broadcast %broadcast_in_dim3A_71 : f32 to vector<18x512xf32>
    %broadcast_in_dim3A_73 = arith.constant 0.000000e+00 : f32
    %broadcast_in_dim3A_74 = vector.broadcast %broadcast_in_dim3A_73 : f32 to vector<6x512xf32>
    %concatenate3A_75 = tpu.concatenate %broadcast_in_dim3A_72, %slice3A_39, %broadcast_in_dim3A_74, %mul3A_24, %mul3A_27 in 0 : vector<18x512xf32>, vector<6x512xf32>, vector<6x512xf32>, vector<1x512xf32>, vector<1x512xf32> -> vector<32x512xf32>
    %swap3A_76 = arith.constant 0 : index
    %swap3A_77 = arith.constant 3 : index
    %swap3A_78 = arith.constant 0 : index
    %swap3A_79 = arith.constant 0 : index
    %swap3A_80 = vector.load %arg7[%swap3A_76, %swap3A_77, %swap3A_78, %swap3A_79] : memref<1x5x32x512xf32, #tpu.memory_space<vmem>>, vector<1x1x32x512xf32>
    %swap3A_81 = vector.shape_cast %swap3A_80 : vector<1x1x32x512xf32> to vector<32x512xf32>
    %swap3A_82 = vector.shape_cast %concatenate3A_75 : vector<32x512xf32> to vector<1x1x32x512xf32>
    tpu.vector_store %arg7[%swap3A_76, %swap3A_77, %swap3A_78, %swap3A_79], %swap3A_82 {strides = array<i32>} : memref<1x5x32x512xf32, #tpu.memory_space<vmem>>, vector<1x1x32x512xf32>,
    %broadcast_in_dim3A_83 = arith.constant 0.000000e+00 : f32
    %broadcast_in_dim3A_84 = vector.broadcast %broadcast_in_dim3A_83 : f32 to vector<24x512xf32>
    %concatenate3A_85 = tpu.concatenate %broadcast_in_dim3A_84, %slice3A_39, %mul3A_24, %mul3A_27 in 0 : vector<24x512xf32>, vector<6x512xf32>, vector<1x512xf32>, vector<1x512xf32> -> vector<32x512xf32>
    %swap3A_86 = arith.constant 0 : index
    %swap3A_87 = arith.constant 4 : index
    %swap3A_88 = arith.constant 0 : index
    %swap3A_89 = arith.constant 0 : index
    %swap3A_90 = vector.load %arg7[%swap3A_86, %swap3A_87, %swap3A_88, %swap3A_89] : memref<1x5x32x512xf32, #tpu.memory_space<vmem>>, vector<1x1x32x512xf32>
    %swap3A_91 = vector.shape_cast %swap3A_90 : vector<1x1x32x512xf32> to vector<32x512xf32>
    %swap3A_92 = vector.shape_cast %concatenate3A_85 : vector<32x512xf32> to vector<1x1x32x512xf32>
    tpu.vector_store %arg7[%swap3A_86, %swap3A_87, %swap3A_88, %swap3A_89], %swap3A_92 {strides = array<i32>} : memref<1x5x32x512xf32, #tpu.memory_space<vmem>>, vector<1x1x32x512xf32>,
    %get3A_93 = arith.constant 0 : index
    %get3A_94 = arith.constant 0 : index
    %get3A_95 = vector.load %arg5[%get3A_93, %get3A_94] : memref<8x256xf32, #tpu.memory_space<vmem>>, vector<8x256xf32>
    %dot_general3A_96 = arith.constant dense<0.000000e+00> : vector<8x512xf32>
    %dot_general3A_97 = tpu.matmul %get3A_95, %dot_general3A_12, %dot_general3A_96 {dimension_numbers = #tpu.dot_dimension_numbers<[1], [0], [0], [1], [0, 0, 1, 1], [], []>, transpose_lhs_hint = false} : vector<8x256xf32>, vector<256x512xf32>, vector<8x512xf32> -> vector<8x512xf32>
    %slice3A_98 = vector.extract_strided_slice %dot_general3A_97 {offsets = [0, 0], sizes = [1, 512], strides = [1, 1]} : vector<8x512xf32> to vector<1x512xf32>
    %broadcast_in_dim3A_99 = arith.constant 0.000000e+00 : f32
    %broadcast_in_dim3A_100 = vector.broadcast %broadcast_in_dim3A_99 : f32 to vector<6x512xf32>
    %concatenate3A_101 = tpu.concatenate %slice3A_98, %mul3A_33, %broadcast_in_dim3A_100 in 0 : vector<1x512xf32>, vector<1x512xf32>, vector<6x512xf32> -> vector<8x512xf32>
    %swap3A_102 = arith.constant 0 : index
    %swap3A_103 = arith.constant 0 : index
    %swap3A_104 = arith.constant 0 : index
    %swap3A_105 = vector.load %arg8[%swap3A_102, %swap3A_103, %swap3A_104] : memref<1x8x512xf32, #tpu.memory_space<vmem>>, vector<1x8x512xf32>
    %swap3A_106 = vector.shape_cast %swap3A_105 : vector<1x8x512xf32> to vector<8x512xf32>
    %swap3A_107 = vector.shape_cast %concatenate3A_101 : vector<8x512xf32> to vector<1x8x512xf32>
    tpu.vector_store %arg8[%swap3A_102, %swap3A_103, %swap3A_104], %swap3A_107 {strides = array<i32>} : memref<1x8x512xf32, #tpu.memory_space<vmem>>, vector<1x8x512xf32>,
    return
  }
  func.func @transform_0(%arg0: i32) -> (i32, i32, i32) {
    %c0_i32 = arith.constant 0 : i32
    %c0_i32_0 = arith.constant 0 : i32
    %c0_i32_1 = arith.constant 0 : i32
    return %arg0, %c0_i32, %c0_i32_0 : i32, i32, i32
  }
  func.func @transform_1(%arg0: i32) -> (i32, i32, i32) {
    %c0_i32 = arith.constant 0 : i32
    %c0_i32_0 = arith.constant 0 : i32
    %c0_i32_1 = arith.constant 0 : i32
    return %arg0, %c0_i32, %c0_i32_0 : i32, i32, i32
  }
  func.func @transform_2(%arg0: i32) -> (i32, i32) {
    %c0_i32 = arith.constant 0 : i32
    %c0_i32_0 = arith.constant 0 : i32
    %c0_i32_1 = arith.constant 0 : i32
    return %c0_i32, %c0_i32_0 : i32, i32
  }
  func.func @transform_3(%arg0: i32) -> (i32, i32) {
    %c0_i32 = arith.constant 0 : i32
    %c0_i32_0 = arith.constant 0 : i32
    %c0_i32_1 = arith.constant 0 : i32
    return %c0_i32, %c0_i32_0 : i32, i32
  }
  func.func @transform_4(%arg0: i32) -> (i32, i32) {
    %c0_i32 = arith.constant 0 : i32
    %c0_i32_0 = arith.constant 0 : i32
    %c0_i32_1 = arith.constant 0 : i32
    return %c0_i32, %c0_i32_0 : i32, i32
  }
  func.func @transform_5(%arg0: i32) -> (i32, i32) {
    %c0_i32 = arith.constant 0 : i32
    %c0_i32_0 = arith.constant 0 : i32
    %c0_i32_1 = arith.constant 0 : i32
    return %c0_i32, %c0_i32_0 : i32, i32
  }
  func.func @transform_6(%arg0: i32) -> (i32, i32, i32, i32) {
    %c0_i32 = arith.constant 0 : i32
    %c0_i32_0 = arith.constant 0 : i32
    %c0_i32_1 = arith.constant 0 : i32
    %c0_i32_2 = arith.constant 0 : i32
    return %arg0, %c0_i32, %c0_i32_0, %c0_i32_1 : i32, i32, i32, i32
  }
  func.func @transform_7(%arg0: i32) -> (i32, i32, i32) {
    %c0_i32 = arith.constant 0 : i32
    %c0_i32_0 = arith.constant 0 : i32
    %c0_i32_1 = arith.constant 0 : i32
    return %arg0, %c0_i32, %c0_i32_0 : i32, i32, i32
  }
}

module attributes {stable_mosaic.version = 14 : i64} {
  func.func @_attn_body(%arg0: i32, %arg1: i32, %arg2: memref<1x576x32xf32, #tpu.memory_space<vmem>>, %arg3: memref<1x5x32x512xf32, #tpu.memory_space<vmem>>, %arg4: memref<1x8x512xf32, #tpu.memory_space<vmem>>, %arg5: memref<64x576xf32, #tpu.memory_space<vmem>>, %arg6: memref<1x1x64x1xf32, #tpu.memory_space<vmem>>) attributes {dimension_semantics = [#tpu.dimension_semantics<parallel>, #tpu.dimension_semantics<parallel>], iteration_bounds = array<i64: 2, 8>, scalar_prefetch = 0 : i64, scratch_operands = 0 : i64, tpu.core_type = #tpu.core_type<tc>, window_params = [{transform_indices = @transform_0, window_bounds = array<i64: 1, 576, 32>}, {transform_indices = @transform_1, window_bounds = array<i64: 1, 5, 32, 512>}, {transform_indices = @transform_2, window_bounds = array<i64: 1, 8, 512>}, {pipeline_mode = #tpu.pipeline_mode<synchronous>, transform_indices = @transform_3, window_bounds = array<i64: 64, 576>}, {transform_indices = @transform_4, window_bounds = array<i64: 1, 1, 64, 1>}]} {
    %get3A = arith.constant 0 : index
    %get3A_0 = arith.constant 0 : index
    %get3A_1 = arith.constant 0 : index
    %get3A_2 = vector.load %arg2[%get3A, %get3A_0, %get3A_1] : memref<1x576x32xf32, #tpu.memory_space<vmem>>, vector<1x576x32xf32>
    %get3A_3 = vector.shape_cast %get3A_2 : vector<1x576x32xf32> to vector<576x32xf32>
    %get3A_4 = arith.constant 0 : index
    %get3A_5 = arith.constant 0 : index
    %get3A_6 = arith.constant 0 : index
    %get3A_7 = vector.load %arg4[%get3A_4, %get3A_5, %get3A_6] : memref<1x8x512xf32, #tpu.memory_space<vmem>>, vector<1x1x512xf32>
    %get3A_8 = vector.shape_cast %get3A_7 : vector<1x1x512xf32> to vector<1x512xf32>
    %get3A_9 = arith.constant 0 : index
    %get3A_10 = arith.constant 1 : index
    %get3A_11 = arith.constant 0 : index
    %get3A_12 = vector.load %arg4[%get3A_9, %get3A_10, %get3A_11] : memref<1x8x512xf32, #tpu.memory_space<vmem>>, vector<1x1x512xf32>
    %get3A_13 = vector.shape_cast %get3A_12 : vector<1x1x512xf32> to vector<1x512xf32>
    %broadcast_in_dim3A = arith.constant 0.000000e+00 : f32
    %broadcast_in_dim3A_14 = vector.broadcast %broadcast_in_dim3A : f32 to vector<576x1xf32>
    %get3A_15 = arith.constant 0 : index
    %get3A_16 = arith.constant 0 : index
    %get3A_17 = arith.constant 0 : index
    %get3A_18 = arith.constant 0 : index
    %get3A_19 = vector.load %arg3[%get3A_15, %get3A_16, %get3A_17, %get3A_18] : memref<1x5x32x512xf32, #tpu.memory_space<vmem>>, vector<1x1x32x512xf32>
    %get3A_20 = vector.shape_cast %get3A_19 : vector<1x1x32x512xf32> to vector<32x512xf32>
    %dot_general3A = arith.constant dense<0.000000e+00> : vector<576x512xf32>
    %dot_general3A_21 = tpu.matmul %get3A_3, %get3A_20, %dot_general3A {dimension_numbers = #tpu.dot_dimension_numbers<[1], [0], [0], [1], [0, 0, 1, 1], [], []>, transpose_lhs_hint = false} : vector<576x32xf32>, vector<32x512xf32>, vector<576x512xf32> -> vector<576x512xf32>
    %add3A = vector.broadcast %get3A_13 : vector<1x512xf32> to vector<576x512xf32>
    %add3A_22 = arith.addf %dot_general3A_21, %add3A : vector<576x512xf32>
    %reduce_max3A = arith.constant dense<0xFF800000> : vector<576xf32>
    %reduce_max3A_23 = vector.multi_reduction <maximumf>, %add3A_22, %reduce_max3A [1] : vector<576x512xf32> to vector<576xf32>
    %broadcast_in_dim3A_24 = vector.shape_cast %reduce_max3A_23 : vector<576xf32> to vector<576x1xf32>
    %sub3A = vector.broadcast %broadcast_in_dim3A_24 : vector<576x1xf32> to vector<576x512xf32>
    %sub3A_25 = arith.subf %add3A_22, %sub3A : vector<576x512xf32>
    %exp3A = math.exp %sub3A_25 : vector<576x512xf32>
    %reduce_sum3A = arith.constant dense<0.000000e+00> : vector<576xf32>
    %reduce_sum3A_26 = vector.multi_reduction <add>, %exp3A, %reduce_sum3A [1] : vector<576x512xf32> to vector<576xf32>
    %broadcast_in_dim3A_27 = vector.shape_cast %reduce_sum3A_26 : vector<576xf32> to vector<576x1xf32>
    %mul3A = vector.broadcast %get3A_8 : vector<1x512xf32> to vector<576x512xf32>
    %mul3A_28 = arith.mulf %exp3A, %mul3A : vector<576x512xf32>
    %reduce_sum3A_29 = arith.constant dense<0.000000e+00> : vector<576xf32>
    %reduce_sum3A_30 = vector.multi_reduction <add>, %mul3A_28, %reduce_sum3A_29 [1] : vector<576x512xf32> to vector<576xf32>
    %broadcast_in_dim3A_31 = vector.shape_cast %reduce_sum3A_30 : vector<576xf32> to vector<576x1xf32>
    %div3A = arith.divf %broadcast_in_dim3A_31, %broadcast_in_dim3A_27 : vector<576x1xf32>
    %slice3A = vector.extract_strided_slice %get3A_3 {offsets = [0, 0], sizes = [576, 1], strides = [1, 1]} : vector<576x32xf32> to vector<576x1xf32>
    %sub3A_32 = arith.subf %div3A, %slice3A : vector<576x1xf32>
    %mul3A_33 = arith.mulf %sub3A_32, %sub3A_32 : vector<576x1xf32>
    %add3A_34 = arith.addf %broadcast_in_dim3A_14, %mul3A_33 : vector<576x1xf32>
    %get3A_35 = arith.constant 0 : index
    %get3A_36 = arith.constant 1 : index
    %get3A_37 = arith.constant 0 : index
    %get3A_38 = arith.constant 0 : index
    %get3A_39 = vector.load %arg3[%get3A_35, %get3A_36, %get3A_37, %get3A_38] : memref<1x5x32x512xf32, #tpu.memory_space<vmem>>, vector<1x1x32x512xf32>
    %get3A_40 = vector.shape_cast %get3A_39 : vector<1x1x32x512xf32> to vector<32x512xf32>
    %dot_general3A_41 = arith.constant dense<0.000000e+00> : vector<576x512xf32>
    %dot_general3A_42 = tpu.matmul %get3A_3, %get3A_40, %dot_general3A_41 {dimension_numbers = #tpu.dot_dimension_numbers<[1], [0], [0], [1], [0, 0, 1, 1], [], []>, transpose_lhs_hint = false} : vector<576x32xf32>, vector<32x512xf32>, vector<576x512xf32> -> vector<576x512xf32>
    %add3A_43 = vector.broadcast %get3A_13 : vector<1x512xf32> to vector<576x512xf32>
    %add3A_44 = arith.addf %dot_general3A_42, %add3A_43 : vector<576x512xf32>
    %reduce_max3A_45 = arith.constant dense<0xFF800000> : vector<576xf32>
    %reduce_max3A_46 = vector.multi_reduction <maximumf>, %add3A_44, %reduce_max3A_45 [1] : vector<576x512xf32> to vector<576xf32>
    %broadcast_in_dim3A_47 = vector.shape_cast %reduce_max3A_46 : vector<576xf32> to vector<576x1xf32>
    %sub3A_48 = vector.broadcast %broadcast_in_dim3A_47 : vector<576x1xf32> to vector<576x512xf32>
    %sub3A_49 = arith.subf %add3A_44, %sub3A_48 : vector<576x512xf32>
    %exp3A_50 = math.exp %sub3A_49 : vector<576x512xf32>
    %reduce_sum3A_51 = arith.constant dense<0.000000e+00> : vector<576xf32>
    %reduce_sum3A_52 = vector.multi_reduction <add>, %exp3A_50, %reduce_sum3A_51 [1] : vector<576x512xf32> to vector<576xf32>
    %broadcast_in_dim3A_53 = vector.shape_cast %reduce_sum3A_52 : vector<576xf32> to vector<576x1xf32>
    %mul3A_54 = vector.broadcast %get3A_8 : vector<1x512xf32> to vector<576x512xf32>
    %mul3A_55 = arith.mulf %exp3A_50, %mul3A_54 : vector<576x512xf32>
    %reduce_sum3A_56 = arith.constant dense<0.000000e+00> : vector<576xf32>
    %reduce_sum3A_57 = vector.multi_reduction <add>, %mul3A_55, %reduce_sum3A_56 [1] : vector<576x512xf32> to vector<576xf32>
    %broadcast_in_dim3A_58 = vector.shape_cast %reduce_sum3A_57 : vector<576xf32> to vector<576x1xf32>
    %div3A_59 = arith.divf %broadcast_in_dim3A_58, %broadcast_in_dim3A_53 : vector<576x1xf32>
    %slice3A_60 = vector.extract_strided_slice %get3A_3 {offsets = [0, 6], sizes = [576, 1], strides = [1, 1]} : vector<576x32xf32> to vector<576x1xf32>
    %sub3A_61 = arith.subf %div3A_59, %slice3A_60 : vector<576x1xf32>
    %mul3A_62 = arith.mulf %sub3A_61, %sub3A_61 : vector<576x1xf32>
    %add3A_63 = arith.addf %add3A_34, %mul3A_62 : vector<576x1xf32>
    %get3A_64 = arith.constant 0 : index
    %get3A_65 = arith.constant 2 : index
    %get3A_66 = arith.constant 0 : index
    %get3A_67 = arith.constant 0 : index
    %get3A_68 = vector.load %arg3[%get3A_64, %get3A_65, %get3A_66, %get3A_67] : memref<1x5x32x512xf32, #tpu.memory_space<vmem>>, vector<1x1x32x512xf32>
    %get3A_69 = vector.shape_cast %get3A_68 : vector<1x1x32x512xf32> to vector<32x512xf32>
    %dot_general3A_70 = arith.constant dense<0.000000e+00> : vector<576x512xf32>
    %dot_general3A_71 = tpu.matmul %get3A_3, %get3A_69, %dot_general3A_70 {dimension_numbers = #tpu.dot_dimension_numbers<[1], [0], [0], [1], [0, 0, 1, 1], [], []>, transpose_lhs_hint = false} : vector<576x32xf32>, vector<32x512xf32>, vector<576x512xf32> -> vector<576x512xf32>
    %add3A_72 = vector.broadcast %get3A_13 : vector<1x512xf32> to vector<576x512xf32>
    %add3A_73 = arith.addf %dot_general3A_71, %add3A_72 : vector<576x512xf32>
    %reduce_max3A_74 = arith.constant dense<0xFF800000> : vector<576xf32>
    %reduce_max3A_75 = vector.multi_reduction <maximumf>, %add3A_73, %reduce_max3A_74 [1] : vector<576x512xf32> to vector<576xf32>
    %broadcast_in_dim3A_76 = vector.shape_cast %reduce_max3A_75 : vector<576xf32> to vector<576x1xf32>
    %sub3A_77 = vector.broadcast %broadcast_in_dim3A_76 : vector<576x1xf32> to vector<576x512xf32>
    %sub3A_78 = arith.subf %add3A_73, %sub3A_77 : vector<576x512xf32>
    %exp3A_79 = math.exp %sub3A_78 : vector<576x512xf32>
    %reduce_sum3A_80 = arith.constant dense<0.000000e+00> : vector<576xf32>
    %reduce_sum3A_81 = vector.multi_reduction <add>, %exp3A_79, %reduce_sum3A_80 [1] : vector<576x512xf32> to vector<576xf32>
    %broadcast_in_dim3A_82 = vector.shape_cast %reduce_sum3A_81 : vector<576xf32> to vector<576x1xf32>
    %mul3A_83 = vector.broadcast %get3A_8 : vector<1x512xf32> to vector<576x512xf32>
    %mul3A_84 = arith.mulf %exp3A_79, %mul3A_83 : vector<576x512xf32>
    %reduce_sum3A_85 = arith.constant dense<0.000000e+00> : vector<576xf32>
    %reduce_sum3A_86 = vector.multi_reduction <add>, %mul3A_84, %reduce_sum3A_85 [1] : vector<576x512xf32> to vector<576xf32>
    %broadcast_in_dim3A_87 = vector.shape_cast %reduce_sum3A_86 : vector<576xf32> to vector<576x1xf32>
    %div3A_88 = arith.divf %broadcast_in_dim3A_87, %broadcast_in_dim3A_82 : vector<576x1xf32>
    %slice3A_89 = vector.extract_strided_slice %get3A_3 {offsets = [0, 12], sizes = [576, 1], strides = [1, 1]} : vector<576x32xf32> to vector<576x1xf32>
    %sub3A_90 = arith.subf %div3A_88, %slice3A_89 : vector<576x1xf32>
    %mul3A_91 = arith.mulf %sub3A_90, %sub3A_90 : vector<576x1xf32>
    %add3A_92 = arith.addf %add3A_63, %mul3A_91 : vector<576x1xf32>
    %get3A_93 = arith.constant 0 : index
    %get3A_94 = arith.constant 3 : index
    %get3A_95 = arith.constant 0 : index
    %get3A_96 = arith.constant 0 : index
    %get3A_97 = vector.load %arg3[%get3A_93, %get3A_94, %get3A_95, %get3A_96] : memref<1x5x32x512xf32, #tpu.memory_space<vmem>>, vector<1x1x32x512xf32>
    %get3A_98 = vector.shape_cast %get3A_97 : vector<1x1x32x512xf32> to vector<32x512xf32>
    %dot_general3A_99 = arith.constant dense<0.000000e+00> : vector<576x512xf32>
    %dot_general3A_100 = tpu.matmul %get3A_3, %get3A_98, %dot_general3A_99 {dimension_numbers = #tpu.dot_dimension_numbers<[1], [0], [0], [1], [0, 0, 1, 1], [], []>, transpose_lhs_hint = false} : vector<576x32xf32>, vector<32x512xf32>, vector<576x512xf32> -> vector<576x512xf32>
    %add3A_101 = vector.broadcast %get3A_13 : vector<1x512xf32> to vector<576x512xf32>
    %add3A_102 = arith.addf %dot_general3A_100, %add3A_101 : vector<576x512xf32>
    %reduce_max3A_103 = arith.constant dense<0xFF800000> : vector<576xf32>
    %reduce_max3A_104 = vector.multi_reduction <maximumf>, %add3A_102, %reduce_max3A_103 [1] : vector<576x512xf32> to vector<576xf32>
    %broadcast_in_dim3A_105 = vector.shape_cast %reduce_max3A_104 : vector<576xf32> to vector<576x1xf32>
    %sub3A_106 = vector.broadcast %broadcast_in_dim3A_105 : vector<576x1xf32> to vector<576x512xf32>
    %sub3A_107 = arith.subf %add3A_102, %sub3A_106 : vector<576x512xf32>
    %exp3A_108 = math.exp %sub3A_107 : vector<576x512xf32>
    %reduce_sum3A_109 = arith.constant dense<0.000000e+00> : vector<576xf32>
    %reduce_sum3A_110 = vector.multi_reduction <add>, %exp3A_108, %reduce_sum3A_109 [1] : vector<576x512xf32> to vector<576xf32>
    %broadcast_in_dim3A_111 = vector.shape_cast %reduce_sum3A_110 : vector<576xf32> to vector<576x1xf32>
    %mul3A_112 = vector.broadcast %get3A_8 : vector<1x512xf32> to vector<576x512xf32>
    %mul3A_113 = arith.mulf %exp3A_108, %mul3A_112 : vector<576x512xf32>
    %reduce_sum3A_114 = arith.constant dense<0.000000e+00> : vector<576xf32>
    %reduce_sum3A_115 = vector.multi_reduction <add>, %mul3A_113, %reduce_sum3A_114 [1] : vector<576x512xf32> to vector<576xf32>
    %broadcast_in_dim3A_116 = vector.shape_cast %reduce_sum3A_115 : vector<576xf32> to vector<576x1xf32>
    %div3A_117 = arith.divf %broadcast_in_dim3A_116, %broadcast_in_dim3A_111 : vector<576x1xf32>
    %slice3A_118 = vector.extract_strided_slice %get3A_3 {offsets = [0, 18], sizes = [576, 1], strides = [1, 1]} : vector<576x32xf32> to vector<576x1xf32>
    %sub3A_119 = arith.subf %div3A_117, %slice3A_118 : vector<576x1xf32>
    %mul3A_120 = arith.mulf %sub3A_119, %sub3A_119 : vector<576x1xf32>
    %add3A_121 = arith.addf %add3A_92, %mul3A_120 : vector<576x1xf32>
    %get3A_122 = arith.constant 0 : index
    %get3A_123 = arith.constant 4 : index
    %get3A_124 = arith.constant 0 : index
    %get3A_125 = arith.constant 0 : index
    %get3A_126 = vector.load %arg3[%get3A_122, %get3A_123, %get3A_124, %get3A_125] : memref<1x5x32x512xf32, #tpu.memory_space<vmem>>, vector<1x1x32x512xf32>
    %get3A_127 = vector.shape_cast %get3A_126 : vector<1x1x32x512xf32> to vector<32x512xf32>
    %dot_general3A_128 = arith.constant dense<0.000000e+00> : vector<576x512xf32>
    %dot_general3A_129 = tpu.matmul %get3A_3, %get3A_127, %dot_general3A_128 {dimension_numbers = #tpu.dot_dimension_numbers<[1], [0], [0], [1], [0, 0, 1, 1], [], []>, transpose_lhs_hint = false} : vector<576x32xf32>, vector<32x512xf32>, vector<576x512xf32> -> vector<576x512xf32>
    %add3A_130 = vector.broadcast %get3A_13 : vector<1x512xf32> to vector<576x512xf32>
    %add3A_131 = arith.addf %dot_general3A_129, %add3A_130 : vector<576x512xf32>
    %reduce_max3A_132 = arith.constant dense<0xFF800000> : vector<576xf32>
    %reduce_max3A_133 = vector.multi_reduction <maximumf>, %add3A_131, %reduce_max3A_132 [1] : vector<576x512xf32> to vector<576xf32>
    %broadcast_in_dim3A_134 = vector.shape_cast %reduce_max3A_133 : vector<576xf32> to vector<576x1xf32>
    %sub3A_135 = vector.broadcast %broadcast_in_dim3A_134 : vector<576x1xf32> to vector<576x512xf32>
    %sub3A_136 = arith.subf %add3A_131, %sub3A_135 : vector<576x512xf32>
    %exp3A_137 = math.exp %sub3A_136 : vector<576x512xf32>
    %reduce_sum3A_138 = arith.constant dense<0.000000e+00> : vector<576xf32>
    %reduce_sum3A_139 = vector.multi_reduction <add>, %exp3A_137, %reduce_sum3A_138 [1] : vector<576x512xf32> to vector<576xf32>
    %broadcast_in_dim3A_140 = vector.shape_cast %reduce_sum3A_139 : vector<576xf32> to vector<576x1xf32>
    %mul3A_141 = vector.broadcast %get3A_8 : vector<1x512xf32> to vector<576x512xf32>
    %mul3A_142 = arith.mulf %exp3A_137, %mul3A_141 : vector<576x512xf32>
    %reduce_sum3A_143 = arith.constant dense<0.000000e+00> : vector<576xf32>
    %reduce_sum3A_144 = vector.multi_reduction <add>, %mul3A_142, %reduce_sum3A_143 [1] : vector<576x512xf32> to vector<576xf32>
    %broadcast_in_dim3A_145 = vector.shape_cast %reduce_sum3A_144 : vector<576xf32> to vector<576x1xf32>
    %div3A_146 = arith.divf %broadcast_in_dim3A_145, %broadcast_in_dim3A_140 : vector<576x1xf32>
    %slice3A_147 = vector.extract_strided_slice %get3A_3 {offsets = [0, 24], sizes = [576, 1], strides = [1, 1]} : vector<576x32xf32> to vector<576x1xf32>
    %sub3A_148 = arith.subf %div3A_146, %slice3A_147 : vector<576x1xf32>
    %mul3A_149 = arith.mulf %sub3A_148, %sub3A_148 : vector<576x1xf32>
    %add3A_150 = arith.addf %add3A_121, %mul3A_149 : vector<576x1xf32>
    %get3A_151 = arith.constant 0 : index
    %get3A_152 = arith.constant 0 : index
    %get3A_153 = vector.load %arg5[%get3A_151, %get3A_152] : memref<64x576xf32, #tpu.memory_space<vmem>>, vector<64x576xf32>
    %dot_general3A_154 = arith.constant dense<0.000000e+00> : vector<64x1xf32>
    %dot_general3A_155 = tpu.matmul %get3A_153, %add3A_150, %dot_general3A_154 {dimension_numbers = #tpu.dot_dimension_numbers<[1], [0], [0], [1], [0, 0, 1, 1], [], []>, transpose_lhs_hint = false} : vector<64x576xf32>, vector<576x1xf32>, vector<64x1xf32> -> vector<64x1xf32>
    %swap3A = arith.constant 0 : index
    %swap3A_156 = arith.constant 0 : index
    %swap3A_157 = arith.constant 0 : index
    %swap3A_158 = arith.constant 0 : index
    %swap3A_159 = vector.load %arg6[%swap3A, %swap3A_156, %swap3A_157, %swap3A_158] : memref<1x1x64x1xf32, #tpu.memory_space<vmem>>, vector<1x1x64x1xf32>
    %swap3A_160 = vector.shape_cast %swap3A_159 : vector<1x1x64x1xf32> to vector<64x1xf32>
    %swap3A_161 = vector.shape_cast %dot_general3A_155 : vector<64x1xf32> to vector<1x1x64x1xf32>
    tpu.vector_store %arg6[%swap3A, %swap3A_156, %swap3A_157, %swap3A_158], %swap3A_161 {strides = array<i32>} : memref<1x1x64x1xf32, #tpu.memory_space<vmem>>, vector<1x1x64x1xf32>,
    return
  }
  func.func @transform_0(%arg0: i32, %arg1: i32) -> (i32, i32, i32) {
    %c0_i32 = arith.constant 0 : i32
    %c0_i32_0 = arith.constant 0 : i32
    return %arg0, %arg1, %c0_i32 : i32, i32, i32
  }
  func.func @transform_1(%arg0: i32, %arg1: i32) -> (i32, i32, i32, i32) {
    %c0_i32 = arith.constant 0 : i32
    %c0_i32_0 = arith.constant 0 : i32
    %c0_i32_1 = arith.constant 0 : i32
    %c0_i32_2 = arith.constant 0 : i32
    return %arg0, %c0_i32, %c0_i32_0, %c0_i32_1 : i32, i32, i32, i32
  }
  func.func @transform_2(%arg0: i32, %arg1: i32) -> (i32, i32, i32) {
    %c0_i32 = arith.constant 0 : i32
    %c0_i32_0 = arith.constant 0 : i32
    %c0_i32_1 = arith.constant 0 : i32
    return %arg0, %c0_i32, %c0_i32_0 : i32, i32, i32
  }
  func.func @transform_3(%arg0: i32, %arg1: i32) -> (i32, i32) {
    %c0_i32 = arith.constant 0 : i32
    %c0_i32_0 = arith.constant 0 : i32
    %c0_i32_1 = arith.constant 0 : i32
    return %c0_i32, %c0_i32_0 : i32, i32
  }
  func.func @transform_4(%arg0: i32, %arg1: i32) -> (i32, i32, i32, i32) {
    %c0_i32 = arith.constant 0 : i32
    %c0_i32_0 = arith.constant 0 : i32
    %c0_i32_1 = arith.constant 0 : i32
    return %arg0, %arg1, %c0_i32, %c0_i32_0 : i32, i32, i32, i32
  }
}

</mosaic_0001>

<sc_bundles>
// kernel: kernel.5.cloned.1.call-start
scs
__scs_entry_jumppad:
0x0: {  	(pc) =	sbr.rel $0x88, $3  }
0x1: {  	(tag) =	ssettag $0x0;
	lr =	simm.s32 $0x1  }
0x2: {  	[smem:$0x3F99] =	sst lr;
	_ =	strace $0xD0000000  }
0x3: {  	_ = 	snop  }
0x4: {  	_ = 	snop  }
0x5: {  	_ = 	snop  }
0x6: {  	_ = 	snop  }
0x7: {  	_ = 	snop  }
__scs_overlays_trampoline_lowered:
0x8: {  	[smem:$0x3FA8] =	sst s0  }
0x9: {  	[smem:$0x3FA9] =	sst s1  }
0xa: {  	[smem:$0x3FAA] =	sst s2  }
0xb: {  	[smem:$0x3FAB] =	sst s3  }
0xc: {  	[smem:$0x3FAC] =	sst s4  }
0xd: {  	[smem:$0x3FAD] =	sst s5  }
0xe: {  	[smem:$0x3FAE] =	sst s6  }
0xf: {  	[smem:$0x3FAF] =	sst s7  }
0x10: {  	[smem:$0x3FB0] =	sst s8  }
0x11: {  	[smem:$0x3FB1] =	sst s9;
	s0 =	simm.s32 @!p0 $0x0  }
0x12: {  	s1 =	sld [smem:$0x3F97];
	s0 =	simm.s32 @p0 $0x1  }
0x13: {  	[smem:$0x3FB2] =	sst s0;
	s0 =	simm.s32 @!p1 $0x0  }
0x14: {  	s2 =	sld [smem:$0x3F96];
	s0 =	simm.s32 @p1 $0x1  }
0x15: {  	[smem:$0x3FB3] =	sst s0;
	s0 =	simm.s32 @!p2 $0x0  }
0x16: {  	s3 =	sld [smem:$0x3FDB];
	s0 =	simm.s32 @p2 $0x1  }
0x17: {  	s4 =	simm.s32 $0x1BF5;
	[smem:$0x3FB5] =	sst s0  }
0x18: {  	s0 =	sld [smem:$0x3F98];
	_ =	swait.ge [sflag:s4], $0x0  }
0x19: {  	s7 =	sld [smem:$0x3F99]  }
0x1a: {  	s8 =	sadd.s32 $0xFFFFE003, lr  }
0x1b: {  	s9 =	sadd.s32 $0xFFFFFEF7, lr;
	s5 =	simm.s32 $0xFFFFFFFF;
	p2 =	slt.u32 s8, $0xFFFFF086  }
0x1c: {  	p1 =	slt.u32 s9, $0xF7A;
	s5 =	simm.s32 @!p2 $0x0  }
0x1d: {  	s5 =	simm.s32 @p1 $0x1;
	p0 =	seq.s32 s7, s2  }
0x1e: {  	s7 =	smul.u32 @!p0 $0xF7A, s2;
	p2 =	seq.s32 @!p0 s5, $0x0  }
0x1f: {  	s9 =	smul.u32 $0xF7A, s1;
	s8 =	simm.s32 @!p0 $0x1BF5;
	p2 =	por !p2, p0  }
0x20: {  	[sflag:s8] =	ssyncset.s32 @!p0 $0xFFFFF086;
	s6 =	sadd.s32 @!p0 s3, s7;
	s7 =	simm.s32 @!p0 $0x108  }
0x21: {  	s3 =	sadd.s32 s3, s9;
	s6 =	sadd.s32 @!p0 $0x88, s6;
	s7 =	simm.s32 @p2 $0x1082  }
0x22: {  	[simem:s7], [sflag:s8] =	dma.local @!p0 [hbm:s6], $0xF7A  }
0x23: {  	s9 =	sor.u32 $0xD0000000, s2;
	s6 =	simm.s32 $0x108;
	_ =	swait.ge @!p0 [sflag:s8], $0x0  }
0x24: {  	s3 =	sadd.s32 $0x88, s3;
	s6 =	simm.s32 @!p1 $0x1082;
	[sflag:s4] =	ssyncset.s32 $0xFFFFF086  }
0x25: {  	[simem:s6], [sflag:s4] =	dma.local [hbm:s3], $0xF7A  }
0x26: {  	[smem:$0x3F99] =	sst s1;
	(tag) =	ssettag s2;
	_ =	strace s9  }
0x27: {  	s1 =	sld [smem:$0x3FA9]  }
0x28: {  	s2 =	sld [smem:$0x3FAA]  }
0x29: {  	s4 =	sld [smem:$0x3FAC]  }
0x2a: {  	p0 =	seq.s32 s5, $0x0;
	s5 =	sld [smem:$0x3FAD]  }
0x2b: {  	s6 =	sld [smem:$0x3FAE]  }
0x2c: {  	s7 =	sld [smem:$0x3FAF]  }
0x2d: {  	s3 =	simm.s32 $0x108;
	s8 =	sld [smem:$0x3FB0]  }
0x2e: {  	s3 =	simm.s32 @!p0 $0x1082;
	s9 =	sld [smem:$0x3FB1]  }
0x2f: {  	lr =	sadd.s32 s0, s3;
	s0 =	sld [smem:$0x3FA8]  }
0x30: {  	s3 =	sld [smem:$0x3FAB]  }
0x31: {  	[smem:$0x3FB4] =	sst s10  }
0x32: {  	s10 =	sld [smem:$0x3FB2];
	_ =	sdelay $0x3  }
0x33: {  	p0 =	seq.s32 s10, $0x1;
	s10 =	sld [smem:$0x3FB4];
	_ =	sdelay $0x3  }
0x34: {  	[smem:$0x3FB4] =	sst s10  }
0x35: {  	s10 =	sld [smem:$0x3FB3];
	_ =	sdelay $0x3  }
0x36: {  	p1 =	seq.s32 s10, $0x1;
	s10 =	sld [smem:$0x3FB4];
	_ =	sdelay $0x3  }
0x37: {  	[smem:$0x3FB4] =	sst s10  }
0x38: {  	s10 =	sld [smem:$0x3FB5]  }
0x39: {  	_ = 	snop;
	(pc) =	sbr.ind lr, $3  }
0x3a: {  	_ = 	snop  }
0x3b: {  	_ = 	snop  }
0x3c: {  	p2 =	seq.s32 s10, $0x1;
	s10 =	sld [smem:$0x3FB4]  }
0x3d: {  	_ =	shalt  }
0x3e: {  	_ =	shalt  }
0x3f: {  	_ =	shalt  }
0x40: {  	_ =	shalt  }
0x41: {  	_ =	shalt  }
0x42: {  	_ =	shalt  }
0x43: {  	_ =	shalt  }
0x44: {  	_ =	shalt  }
0x45: {  	_ =	shalt  }
0x46: {  	_ =	shalt  }
0x47: {  	_ =	shalt  }
0x48: {  	_ =	shalt  }
0x49: {  	_ =	shalt  }
0x4a: {  	_ =	shalt  }
0x4b: {  	_ =	shalt  }
0x4c: {  	_ =	shalt  }
0x4d: {  	_ =	shalt  }
0x4e: {  	_ =	shalt  }
0x4f: {  	_ =	shalt  }
0x50: {  	_ =	shalt  }
0x51: {  	_ =	shalt  }
0x52: {  	_ =	shalt  }
0x53: {  	_ =	shalt  }
0x54: {  	_ =	shalt  }
0x55: {  	_ =	shalt  }
0x56: {  	_ =	shalt  }
0x57: {  	_ =	shalt  }
0x58: {  	_ =	shalt  }
0x59: {  	_ =	shalt  }
0x5a: {  	_ =	shalt  }
0x5b: {  	_ =	shalt  }
0x5c: {  	_ =	shalt  }
0x5d: {  	_ =	shalt  }
0x5e: {  	_ =	shalt  }
0x5f: {  	_ =	shalt  }
0x60: {  	_ =	shalt  }
0x61: {  	_ =	shalt  }
0x62: {  	_ =	shalt  }
0x63: {  	_ =	shalt  }
0x64: {  	_ =	shalt  }
0x65: {  	_ =	shalt  }
0x66: {  	_ =	shalt  }
0x67: {  	_ =	shalt  }
0x68: {  	_ =	shalt  }
0x69: {  	_ =	shalt  }
0x6a: {  	_ =	shalt  }
0x6b: {  	_ =	shalt  }
0x6c: {  	_ =	shalt  }
0x6d: {  	_ =	shalt  }
0x6e: {  	_ =	shalt  }
0x6f: {  	_ =	shalt  }
0x70: {  	_ =	shalt  }
0x71: {  	_ =	shalt  }
0x72: {  	_ =	shalt  }
0x73: {  	_ =	shalt  }
0x74: {  	_ =	shalt  }
0x75: {  	_ =	shalt  }
0x76: {  	_ =	shalt  }
0x77: {  	_ =	shalt  }
0x78: {  	_ =	shalt  }
0x79: {  	_ =	shalt  }
0x7a: {  	_ =	shalt  }
0x7b: {  	_ =	shalt  }
0x7c: {  	_ =	shalt  }
0x7d: {  	_ =	shalt  }
0x7e: {  	_ =	shalt  }
0x7f: {  	_ =	shalt  }
0x80: {  	_ =	shalt  }
0x81: {  	_ =	shalt  }
0x82: {  	_ =	shalt  }
0x83: {  	_ =	shalt  }
0x84: {  	_ =	shalt  }
0x85: {  	_ =	shalt  }
0x86: {  	_ =	shalt  }
0x87: {  	_ =	shalt  }
.Lfunc_end0:
.L_simem_size_0:
called_computation.1_lowered:
.L_overlay_start_0:
0x88: {  	s2 =	sld [smem:$0x3FD9]  }
0x89: {  	s3 =	sld [smem:$0x3FFE];
	_ =	sdelay $0x1  }
0x8a: {  	s1 =	srdreg.scid  }
0x8b: {  	s0 =	sand.u32 $0x1, s1  }
0x8c: {  	s16 =	sshll.u32 s0, $0xA;
	s2 =	sadd.s32 s3, s2  }
0x8d: {  	s2 =	sadd.s32 s2, s16  }
0x8e: {  	[smem:$0x3FC0] =	sst s2  }
0x8f: {  	_ = 	snop  }
0x90: {  	(tm) =	ssettm $0x1  }
0x91: {  	s17 =	sld [smem:$0x3FFB];
	_ =	sdelay $0x3  }
0x92: {  	_ =	strace s17  }
0x93: {  	s2 =	sld [smem:$0x3FFC];
	_ =	sdelay $0x3  }
0x94: {  	_ =	strace s2  }
0x95: {  	s2 =	sld [smem:$0x3FFD];
	_ =	sdelay $0x3  }
0x96: {  	_ =	strace s2  }
0x97: {  	_ =	strace $0x8FFFFFFF  }
0x98: {  	s18 =	sld [smem:$0x3FDB];
	_ =	sdelay $0x1  }
0x99: {  	s19 =	simm.s32 $_scs_section_size  }
0x9a: {  	s4 =	simm.s32 $_size__tile_overlayer_lowered;
	s5 =	simm.s32 $_tile_overlayer_lowered  }
0x9b: {  	s22 =	simm.s32 $0x1BFF;
	s21 =	sshll.u32 s5, $0x1;
	s2 =	sadd.s32 s19, s18  }
0x9c: {  	s6 =	simm.s32 $0x0;
	s20 =	sshll.u32 s4, $0x1;
	s4 =	sadd.s32 s21, s2  }
0x9d: {  	[timem:s6], [sflag:s22] =	dma.local [hbm:s4], s20  }
0x9e: {  	_ =	swait.ge [sflag:s22], s20  }
0x9f: {  	s3 =	ssub.s32 $0x0, s20;
	[sflag:s22] =	ssyncset.done $0x0  }
0xa0: {  	[sflag:s22] =	ssyncadd.s32 s3;
	_ =	sdelay $0x1  }
0xa1: {  	s23 =	simm.s32 $0x1B8B  }
0xa2: {  	_ =	swait.ge [sflag:s23], $0x1  }
0xa3: {  	[sflag:s23] =	ssyncset.done $0x0  }
0xa4: {  	s25 =	simm.s32 $0x1B8E;
	s24 =	sld [smem:$0x3FFE];
	[sflag:s23] =	ssyncadd.s32 $0xFFFFFFFF  }
0xa5: {  	s26 =	simm.s32 $execute0_lowered;
	[smem:$0x3FD2] =	sst s25  }
0xa6: {  	s4 =	sshll.u32 s26, $0x1;
	_ =	strace $0x80000049;
	[dreg:$0x1] =	wrdreg $0xFFFFFFFF  }
0xa7: {  	s28 =	simm.s32 $_size_execute0_lowered;
	s2 =	sadd.s32 s2, s4;
	[dreg:$0x0] =	wrdreg $0x0  }
0xa8: {  	s4 =	sshll.u32 s28, $0x1;
	[dreg:$0x2] =	wrdreg s2  }
0xa9: {  	[dreg:$0x3] =	wrdreg s4  }
0xaa: {  	[dreg:$0x4] =	wrdreg $0xC0  }
0xab: {  	_ =	task [dreg:s6], $0x5FFFF  }
0xac: {  	[dreg:$0x1] =	wrdreg $0xFFFFFFFF  }
0xad: {  	[dreg:$0x0] =	wrdreg $0x60  }
0xae: {  	[dreg:$0x2] =	wrdreg s24  }
0xaf: {  	[dreg:$0x3] =	wrdreg $0x9  }
0xb0: {  	_ =	task.clear_ibuf [dreg:s6], $0x4FFFF;
	_ =	strace $0x90000049  }
0xb1: {  	s29 =	simm.s32 $0x9;
	_ =	strace $0x8000004B  }
0xb2: {  	_ =	swait.ge [sflag:s29], $0x1  }
0xb3: {  	[sflag:s29] =	ssyncadd.s32 $0xFFFFFFFF  }
0xb4: {  	_ =	strace $0x9000004B  }
0xb5: {  	_ =	sfence  }
0xb6: {  	s30 =	sld [smem:$0x0];
	_ =	sdelay $0x2  }
0xb7: {  	s31 =	sshll.u32 s1, $0xD;
	s1 =	sshrl.u32 s1, $0x2  }
0xb8: {  	s3 =	sand.u32 $0x4000, s31;
	s1 =	sadd.s32 s1, s30  }
0xb9: {  	s0 =	sor.u32 s3, s0;
	s1 =	sshll.u32 s1, $0x11  }
0xba: {  	s0 =	sor.u32 s1, s0  }
0xbb: {  	s0 =	sadd.s32 $0x8F2B, s0  }
0xbc: {  	[sflag:s0] =	ssyncadd.remote.s32 $0x1  }
0xbd: {  	_ =	sfence.sel $0xFFFF  }
0xbe: {  	[dreg:$0x0] =	wrdreg $0xFFFFFFFF;
	(pc) =	sbr.abs _section_cstart, $3  }
0xbf: {  	[dreg:$0x1] =	wrdreg $0xFFFFFFFF  }
0xc0: {  	_ =	task.clear_ibuf [dreg:s6], $0x2FFFF;
	_ =	strace $0x9FFFFFFF  }
0xc1: {  	(tm) =	ssettm $0x7FFFFFFF  }
tec
execute0_lowered:
.L_overlay_start_1:
0x0: {  	(tag) =	ssettag $0x1  }
0x1: {  	s1 =	srdreg.scid;
	s0 =	stileid.u32  }
0x2: {  	s16 =	sand.u32 $0x1, s1;
	s29 =	sshll.u32 s0, $0x1  }
0x3: {  	s18 =	sor.u32 s16, s29  }
0x4: {  	s3 =	smul.u32 $0x120, s18  }
0x5: {  	s17 =	rddreg [dreg:$0x0]  }
0x6: {  	s2 =	simm.s32 $0x0;
	s1 =	rddreg [dreg:$0x1];
	s3 =	sshrl.u32 s3, $0x3  }
0x7: {  	[smem:$0x7FF] =	sst s2;
	s7 =	sadd.s32 s3, s17  }
0x8: {  	_ =	strace $0x8000004A;
	s3 =	simm.s32 $0x2;
	s4 =	sadd.s32 $0xA02000, s7  }
0x9: {  	[tilespmem:s2], [sflag:$0x2] =	stream.linear.gather [hbm4b:s4+s2], $0x60, $0x38;
	[tilespmem:$0x2760] =	vst v63  }
0xa: {  	_ =	swait.ge [sflag:s3], $0x60  }
0xb: {  	[sflag:s3] =	ssyncset.done $0x0  }
0xc: {  	s6 =	simm.s32 $0x60;
	s5 =	sadd.s32 $0xA0200C, s7;
	[sflag:s3] =	ssyncadd.s32 $0xFFFFFFA0  }
0xd: {  	[tilespmem:s6], [sflag:$0x2] =	stream.linear.gather [hbm4b:s5+s2], $0x60, $0x38;
	[tilespmem:$0x2760] =	vst v63  }
0xe: {  	_ =	swait.ge [sflag:s3], $0x60  }
0xf: {  	s8 =	simm.s32 $0xC0;
	[sflag:s3] =	ssyncset.done $0x0  }
0x10: {  	s9 =	smul.u32 $0x48, s18;
	s7 =	sadd.s32 $0xA02018, s7;
	[sflag:s3] =	ssyncadd.s32 $0xFFFFFFA0  }
0x11: {  	[tilespmem:s8], [sflag:$0x2] =	stream.linear.gather [hbm4b:s7+s2], $0x60, $0x38;
	[tilespmem:$0x2760] =	vst v63  }
0x12: {  	_ =	swait.ge [sflag:s3], $0x60  }
0x13: {  	s9 =	sadd.s32 s9, s17;
	[sflag:s3] =	ssyncset.done $0x0  }
0x14: {  	s10 =	simm.s32 $0x2520;
	s9 =	sadd.s32 $0xA01600, s9;
	[sflag:s3] =	ssyncadd.s32 $0xFFFFFFA0  }
0x15: {  	[tilespmem:s10], [sflag:$0x2] =	stream.linear.gather [hbm4b:s9+s2], $0x240, $0x38;
	[tilespmem:$0x2760] =	vst v63  }
0x16: {  	_ =	swait.ge [sflag:s3], $0x240  }
0x17: {  	[sflag:s3] =	ssyncset.done $0x0  }
0x18: {  	s12 =	simm.s32 $0x120;
	s11 =	sadd.s32 $0x1600, s17;
	[sflag:s3] =	ssyncadd.s32 $0xFFFFFDC0  }
0x19: {  	[tilespmem:s12], [sflag:$0x1] =	stream.indirect.gather [hbm4b:s11+s6], $0x20, s2, s6, $0xb8;
	[tilespmem:$0x2760] =	vst v63  }
0x1a: {  	v0 =	vimm.s32 $0xBFBE9F9E;
	s13 =	simm.s32 $0xD20  }
0x1b: {  	v1 =	vimm.s32 $0xFFFEDFDE;
	vm4 =	vcmask $0x1F10;
	v2 =	vimm.s32 $0x3F3E1F1E;
	[tilespmem:s13], [sflag:$0x1] =	stream.indirect.gather [hbm4b:s11+s6], $0x20, s6, s6, $0xb8;
	[tilespmem:$0x2760] =	vst v63  }
0x1c: {  	s14 =	simm.s32 $0x1920;
	s15 =	simm.s32 $0x1;
	v3 =	vimm.s32 $0x1FF;
	vm3 =	vcmask $0x300;
	v4 =	vimm.s32 $0x7F7E5F5E  }
0x1d: {  	vm0 =	vcmask $0x704;
	vm1 =	vcmask $0xB08;
	vm2 =	vcmask $0xF0C;
	[tilespmem:s14], [sflag:$0x1] =	stream.indirect.gather [hbm4b:s11+s6], $0x20, s8, s6, $0xb8;
	[tilespmem:$0x2760] =	vst v63  }
0x1e: {  	vm5 =	vcmask $0x1714;
	vm6 =	vcmask $0x1B18;
	vm7 =	vcmask $0x1F1C;
	_ =	swait.ge [sflag:s15], $0xC00  }
0x1f: {  	v0 =	vunpack.c.0.s8.s32 v0;
	v1 =	vunpack.c.0.s8.s32 v1;
	v3 =	vsel vm3, $0x11E, v3;
	[sflag:s15] =	ssyncset.done $0x0  }
0x20: {  	v2 =	vunpack.c.0.s8.s32 v2;
	v4 =	vunpack.c.0.s8.s32 v4;
	v3 =	vsel vm0, $0x11F, v3;
	[sflag:s15] =	ssyncadd.s32 $0xFFFFF400  }
0x21: {  	vm8 =	vcmask $0x2320;
	v0 =	vsel vm4, v1, v0;
	v1 =	vsel vm1, $0x13E, v3;
	_ =	swait.ge [sflag:s15], $0xC00  }
0x22: {  	v2 =	vsel vm4, v4, v2;
	vm4 =	vcmask $0x1310;
	v1 =	vsel vm2, $0x13F, v1;
	[sflag:s15] =	ssyncset.done $0x0  }
0x23: {  	vm9 =	vcmask $0x2724;
	vm10 =	vcmask $0x2B28;
	v1 =	vsel vm4, $0x15E, v1;
	[sflag:s15] =	ssyncadd.s32 $0xFFFFF400  }
0x24: {  	v0 =	vcombine.low v2, v0;
	v2 =	vimm.s32 $0x2FF;
	v1 =	vsel vm5, $0x15F, v1;
	_ =	swait.ge [sflag:s15], $0xC00  }
0x25: {  	vm11 =	vcmask $0x2F2C;
	v2 =	vsel vm3, $0x21E, v2;
	v1 =	vsel vm6, $0x17E, v1;
	[sflag:s15] =	ssyncset.done $0x0  }
0x26: {  	vm12 =	vcmask $0x3330;
	v2 =	vsel vm0, $0x21F, v2;
	v1 =	vsel vm7, $0x17F, v1;
	[sflag:s15] =	ssyncadd.s32 $0xFFFFF400  }
0x27: {  	v0 =	vand.u32 $0xFF, v0;
	v2 =	vsel vm1, $0x23E, v2;
	v1 =	vsel vm8, $0x19E, v1;
	v3 =	vld [tilespmem:$0x2520]  }
0x28: {  	vm13 =	vcmask $0x3734;
	v2 =	vsel vm2, $0x23F, v2;
	v1 =	vsel vm9, $0x19F, v1  }
0x29: {  	vm14 =	vcmask $0x3B38;
	v2 =	vsel vm4, $0x25E, v2;
	v1 =	vsel vm10, $0x1BE, v1  }
0x2a: {  	v4 =	vimm.s32 $0x3FF;
	v2 =	vsel vm5, $0x25F, v2;
	v1 =	vsel vm11, $0x1BF, v1  }
0x2b: {  	v4 =	vsel vm3, $0x31E, v4;
	v2 =	vsel vm6, $0x27E, v2;
	v1 =	vsel vm12, $0x1DE, v1  }
0x2c: {  	v4 =	vsel vm0, $0x31F, v4;
	v2 =	vsel vm7, $0x27F, v2;
	v1 =	vsel vm13, $0x1DF, v1;
	[tilespmem:v0+s12+$0x0] =	vst.idx.msk $0xffff, v3  }
0x2d: {  	v2 =	vsel vm8, $0x29E, v2;
	v1 =	vsel vm14, $0x1FE, v1;
	v3 =	vsel vm1, $0x33E, v4;
	v4 =	vld [tilespmem:$0x2530]  }
0x2e: {  	v2 =	vsel vm9, $0x29F, v2;
	v3 =	vsel vm2, $0x33F, v3  }
0x2f: {  	v2 =	vsel vm10, $0x2BE, v2;
	v3 =	vsel vm4, $0x35E, v3  }
0x30: {  	v5 =	vimm.s32 $0x4FF;
	v2 =	vsel vm11, $0x2BF, v2;
	v3 =	vsel vm5, $0x35F, v3  }
0x31: {  	v5 =	vsel vm3, $0x41E, v5;
	v2 =	vsel vm12, $0x2DE, v2;
	v3 =	vsel vm6, $0x37E, v3  }
0x32: {  	v5 =	vsel vm0, $0x41F, v5;
	v2 =	vsel vm13, $0x2DF, v2;
	v3 =	vsel vm7, $0x37F, v3;
	[tilespmem:v1+s12+$0x0] =	vst.idx.msk $0xffff, v4  }
0x33: {  	v2 =	vsel vm14, $0x2FE, v2;
	v3 =	vsel vm8, $0x39E, v3;
	v4 =	vsel vm1, $0x43E, v5;
	v5 =	vld [tilespmem:$0x2540]  }
0x34: {  	v3 =	vsel vm9, $0x39F, v3;
	v4 =	vsel vm2, $0x43F, v4  }
0x35: {  	v3 =	vsel vm10, $0x3BE, v3;
	v4 =	vsel vm4, $0x45E, v4  }
0x36: {  	v6 =	vimm.s32 $0x5FF;
	v3 =	vsel vm11, $0x3BF, v3;
	v4 =	vsel vm5, $0x45F, v4  }
0x37: {  	v6 =	vsel vm3, $0x51E, v6;
	v3 =	vsel vm12, $0x3DE, v3;
	v4 =	vsel vm6, $0x47E, v4  }
0x38: {  	v6 =	vsel vm0, $0x51F, v6;
	v3 =	vsel vm13, $0x3DF, v3;
	v4 =	vsel vm7, $0x47F, v4;
	[tilespmem:v2+s12+$0x0] =	vst.idx.msk $0xffff, v5  }
0x39: {  	v3 =	vsel vm14, $0x3FE, v3;
	v4 =	vsel vm8, $0x49E, v4;
	v5 =	vsel vm1, $0x53E, v6;
	v6 =	vld [tilespmem:$0x2550]  }
0x3a: {  	v4 =	vsel vm9, $0x49F, v4;
	v5 =	vsel vm2, $0x53F, v5  }
0x3b: {  	v4 =	vsel vm10, $0x4BE, v4;
	v5 =	vsel vm4, $0x55E, v5  }
0x3c: {  	v7 =	vimm.s32 $0x6FF;
	v4 =	vsel vm11, $0x4BF, v4;
	v5 =	vsel vm5, $0x55F, v5  }
0x3d: {  	v7 =	vsel vm3, $0x61E, v7;
	v4 =	vsel vm12, $0x4DE, v4;
	v5 =	vsel vm6, $0x57E, v5  }
0x3e: {  	v7 =	vsel vm0, $0x61F, v7;
	v4 =	vsel vm13, $0x4DF, v4;
	v5 =	vsel vm7, $0x57F, v5;
	[tilespmem:v3+s12+$0x0] =	vst.idx.msk $0xffff, v6  }
0x3f: {  	v4 =	vsel vm14, $0x4FE, v4;
	v5 =	vsel vm8, $0x59E, v5;
	v6 =	vsel vm1, $0x63E, v7;
	v7 =	vld [tilespmem:$0x2560]  }
0x40: {  	v5 =	vsel vm9, $0x59F, v5;
	v6 =	vsel vm2, $0x63F, v6  }
0x41: {  	v5 =	vsel vm10, $0x5BE, v5;
	v6 =	vsel vm4, $0x65E, v6  }
0x42: {  	v8 =	vimm.s32 $0x7FF;
	v5 =	vsel vm11, $0x5BF, v5;
	v6 =	vsel vm5, $0x65F, v6  }
0x43: {  	v8 =	vsel vm3, $0x71E, v8;
	v5 =	vsel vm12, $0x5DE, v5;
	v6 =	vsel vm6, $0x67E, v6  }
0x44: {  	v8 =	vsel vm0, $0x71F, v8;
	v5 =	vsel vm13, $0x5DF, v5;
	v6 =	vsel vm7, $0x67F, v6;
	[tilespmem:v4+s12+$0x0] =	vst.idx.msk $0xffff, v7  }
0x45: {  	v5 =	vsel vm14, $0x5FE, v5;
	v6 =	vsel vm8, $0x69E, v6;
	v7 =	vsel vm1, $0x73E, v8;
	v8 =	vld [tilespmem:$0x2570]  }
0x46: {  	v6 =	vsel vm9, $0x69F, v6;
	v7 =	vsel vm2, $0x73F, v7  }
0x47: {  	v6 =	vsel vm10, $0x6BE, v6;
	v7 =	vsel vm4, $0x75E, v7  }
0x48: {  	v9 =	vimm.s32 $0x8FF;
	v6 =	vsel vm11, $0x6BF, v6;
	v7 =	vsel vm5, $0x75F, v7  }
0x49: {  	v9 =	vsel vm3, $0x81E, v9;
	v6 =	vsel vm12, $0x6DE, v6;
	v7 =	vsel vm6, $0x77E, v7  }
0x4a: {  	v9 =	vsel vm0, $0x81F, v9;
	v6 =	vsel vm13, $0x6DF, v6;
	v7 =	vsel vm7, $0x77F, v7;
	[tilespmem:v5+s12+$0x0] =	vst.idx.msk $0xffff, v8  }
0x4b: {  	v6 =	vsel vm14, $0x6FE, v6;
	v7 =	vsel vm8, $0x79E, v7;
	v8 =	vsel vm1, $0x83E, v9;
	v9 =	vld [tilespmem:$0x2580]  }
0x4c: {  	v7 =	vsel vm9, $0x79F, v7;
	v8 =	vsel vm2, $0x83F, v8  }
0x4d: {  	v7 =	vsel vm10, $0x7BE, v7;
	v8 =	vsel vm4, $0x85E, v8  }
0x4e: {  	v10 =	vimm.s32 $0x9FF;
	v7 =	vsel vm11, $0x7BF, v7;
	v8 =	vsel vm5, $0x85F, v8  }
0x4f: {  	v10 =	vsel vm3, $0x91E, v10;
	v7 =	vsel vm12, $0x7DE, v7;
	v8 =	vsel vm6, $0x87E, v8  }
0x50: {  	v10 =	vsel vm0, $0x91F, v10;
	v7 =	vsel vm13, $0x7DF, v7;
	v8 =	vsel vm7, $0x87F, v8;
	[tilespmem:v6+s12+$0x0] =	vst.idx.msk $0xffff, v9  }
0x51: {  	v7 =	vsel vm14, $0x7FE, v7;
	v8 =	vsel vm8, $0x89E, v8;
	v9 =	vsel vm1, $0x93E, v10;
	v10 =	vld [tilespmem:$0x2590]  }
0x52: {  	v8 =	vsel vm9, $0x89F, v8;
	v9 =	vsel vm2, $0x93F, v9  }
0x53: {  	v8 =	vsel vm10, $0x8BE, v8;
	v9 =	vsel vm4, $0x95E, v9  }
0x54: {  	v11 =	vimm.s32 $0xAFF;
	v8 =	vsel vm11, $0x8BF, v8;
	v9 =	vsel vm5, $0x95F, v9  }
0x55: {  	v11 =	vsel vm3, $0xA1E, v11;
	v8 =	vsel vm12, $0x8DE, v8;
	v9 =	vsel vm6, $0x97E, v9  }
0x56: {  	v11 =	vsel vm0, $0xA1F, v11;
	v8 =	vsel vm13, $0x8DF, v8;
	v9 =	vsel vm7, $0x97F, v9;
	[tilespmem:v7+s12+$0x0] =	vst.idx.msk $0xffff, v10  }
0x57: {  	v8 =	vsel vm14, $0x8FE, v8;
	v9 =	vsel vm8, $0x99E, v9;
	v10 =	vsel vm1, $0xA3E, v11;
	v11 =	vld [tilespmem:$0x25A0]  }
0x58: {  	v9 =	vsel vm9, $0x99F, v9;
	v10 =	vsel vm2, $0xA3F, v10  }
0x59: {  	v9 =	vsel vm10, $0x9BE, v9;
	v10 =	vsel vm4, $0xA5E, v10  }
0x5a: {  	v12 =	vimm.s32 $0xBFF;
	v9 =	vsel vm11, $0x9BF, v9;
	v10 =	vsel vm5, $0xA5F, v10  }
0x5b: {  	v12 =	vsel vm3, $0xB1E, v12;
	v9 =	vsel vm12, $0x9DE, v9;
	v10 =	vsel vm6, $0xA7E, v10  }
0x5c: {  	v12 =	vsel vm0, $0xB1F, v12;
	v9 =	vsel vm13, $0x9DF, v9;
	v10 =	vsel vm7, $0xA7F, v10;
	[tilespmem:v8+s12+$0x0] =	vst.idx.msk $0xffff, v11  }
0x5d: {  	v9 =	vsel vm14, $0x9FE, v9;
	v10 =	vsel vm8, $0xA9E, v10;
	v11 =	vsel vm1, $0xB3E, v12;
	v12 =	vld [tilespmem:$0x25B0]  }
0x5e: {  	v10 =	vsel vm9, $0xA9F, v10;
	v11 =	vsel vm2, $0xB3F, v11  }
0x5f: {  	v10 =	vsel vm10, $0xABE, v10;
	v11 =	vsel vm4, $0xB5E, v11  }
0x60: {  	v13 =	vimm.s32 $0xCFF;
	v10 =	vsel vm11, $0xABF, v10;
	v11 =	vsel vm5, $0xB5F, v11  }
0x61: {  	v13 =	vsel vm3, $0xC1E, v13;
	v10 =	vsel vm12, $0xADE, v10;
	v11 =	vsel vm6, $0xB7E, v11  }
0x62: {  	v13 =	vsel vm0, $0xC1F, v13;
	v10 =	vsel vm13, $0xADF, v10;
	v11 =	vsel vm7, $0xB7F, v11;
	[tilespmem:v9+s12+$0x0] =	vst.idx.msk $0xffff, v12  }
0x63: {  	v10 =	vsel vm14, $0xAFE, v10;
	v11 =	vsel vm8, $0xB9E, v11;
	v12 =	vsel vm1, $0xC3E, v13;
	v13 =	vld [tilespmem:$0x25C0]  }
0x64: {  	v11 =	vsel vm9, $0xB9F, v11;
	v12 =	vsel vm2, $0xC3F, v12  }
0x65: {  	v11 =	vsel vm10, $0xBBE, v11;
	v12 =	vsel vm4, $0xC5E, v12  }
0x66: {  	v14 =	vimm.s32 $0xDFF;
	v11 =	vsel vm11, $0xBBF, v11;
	v12 =	vsel vm5, $0xC5F, v12  }
0x67: {  	v14 =	vsel vm3, $0xD1E, v14;
	v11 =	vsel vm12, $0xBDE, v11;
	v12 =	vsel vm6, $0xC7E, v12  }
0x68: {  	v14 =	vsel vm0, $0xD1F, v14;
	v11 =	vsel vm13, $0xBDF, v11;
	v12 =	vsel vm7, $0xC7F, v12;
	[tilespmem:v10+s12+$0x0] =	vst.idx.msk $0xffff, v13  }
0x69: {  	v11 =	vsel vm14, $0xBFE, v11;
	v12 =	vsel vm8, $0xC9E, v12;
	v13 =	vsel vm1, $0xD3E, v14;
	v14 =	vld [tilespmem:$0x25D0]  }
0x6a: {  	v12 =	vsel vm9, $0xC9F, v12;
	v13 =	vsel vm2, $0xD3F, v13  }
0x6b: {  	v12 =	vsel vm10, $0xCBE, v12;
	v13 =	vsel vm4, $0xD5E, v13  }
0x6c: {  	v15 =	vimm.s32 $0xEFF;
	v12 =	vsel vm11, $0xCBF, v12;
	v13 =	vsel vm5, $0xD5F, v13  }
0x6d: {  	v15 =	vsel vm3, $0xE1E, v15;
	v12 =	vsel vm12, $0xCDE, v12;
	v13 =	vsel vm6, $0xD7E, v13  }
0x6e: {  	v15 =	vsel vm0, $0xE1F, v15;
	v12 =	vsel vm13, $0xCDF, v12;
	v13 =	vsel vm7, $0xD7F, v13;
	[tilespmem:v11+s12+$0x0] =	vst.idx.msk $0xffff, v14  }
0x6f: {  	v12 =	vsel vm14, $0xCFE, v12;
	v13 =	vsel vm8, $0xD9E, v13;
	v14 =	vsel vm1, $0xE3E, v15;
	v15 =	vld [tilespmem:$0x25E0]  }
0x70: {  	v13 =	vsel vm9, $0xD9F, v13;
	v14 =	vsel vm2, $0xE3F, v14  }
0x71: {  	v13 =	vsel vm10, $0xDBE, v13;
	v14 =	vsel vm4, $0xE5E, v14  }
0x72: {  	v16 =	vimm.s32 $0xFFF;
	v13 =	vsel vm11, $0xDBF, v13;
	v14 =	vsel vm5, $0xE5F, v14  }
0x73: {  	v16 =	vsel vm3, $0xF1E, v16;
	v13 =	vsel vm12, $0xDDE, v13;
	v14 =	vsel vm6, $0xE7E, v14  }
0x74: {  	v16 =	vsel vm0, $0xF1F, v16;
	v13 =	vsel vm13, $0xDDF, v13;
	v14 =	vsel vm7, $0xE7F, v14;
	[tilespmem:v12+s12+$0x0] =	vst.idx.msk $0xffff, v15  }
0x75: {  	v13 =	vsel vm14, $0xDFE, v13;
	v14 =	vsel vm8, $0xE9E, v14;
	v15 =	vsel vm1, $0xF3E, v16;
	v16 =	vld [tilespmem:$0x25F0]  }
0x76: {  	v14 =	vsel vm9, $0xE9F, v14;
	v15 =	vsel vm2, $0xF3F, v15  }
0x77: {  	v14 =	vsel vm10, $0xEBE, v14;
	v15 =	vsel vm4, $0xF5E, v15  }
0x78: {  	v17 =	vimm.s32 $0x10FF;
	v14 =	vsel vm11, $0xEBF, v14;
	v15 =	vsel vm5, $0xF5F, v15  }
0x79: {  	v17 =	vsel vm3, $0x101E, v17;
	v14 =	vsel vm12, $0xEDE, v14;
	v15 =	vsel vm6, $0xF7E, v15  }
0x7a: {  	v17 =	vsel vm0, $0x101F, v17;
	v14 =	vsel vm13, $0xEDF, v14;
	v15 =	vsel vm7, $0xF7F, v15;
	[tilespmem:v13+s12+$0x0] =	vst.idx.msk $0xffff, v16  }
0x7b: {  	v14 =	vsel vm14, $0xEFE, v14;
	v15 =	vsel vm8, $0xF9E, v15;
	v16 =	vsel vm1, $0x103E, v17;
	v17 =	vld [tilespmem:$0x2600]  }
0x7c: {  	v15 =	vsel vm9, $0xF9F, v15;
	v16 =	vsel vm2, $0x103F, v16  }
0x7d: {  	v15 =	vsel vm10, $0xFBE, v15;
	v16 =	vsel vm4, $0x105E, v16  }
0x7e: {  	v18 =	vimm.s32 $0x11FF;
	v15 =	vsel vm11, $0xFBF, v15;
	v16 =	vsel vm5, $0x105F, v16  }
0x7f: {  	v18 =	vsel vm3, $0x111E, v18;
	v15 =	vsel vm12, $0xFDE, v15;
	v16 =	vsel vm6, $0x107E, v16  }
0x80: {  	v18 =	vsel vm0, $0x111F, v18;
	v15 =	vsel vm13, $0xFDF, v15;
	v16 =	vsel vm7, $0x107F, v16;
	[tilespmem:v14+s12+$0x0] =	vst.idx.msk $0xffff, v17  }
0x81: {  	v15 =	vsel vm14, $0xFFE, v15;
	v16 =	vsel vm8, $0x109E, v16;
	v17 =	vsel vm1, $0x113E, v18;
	v18 =	vld [tilespmem:$0x2610]  }
0x82: {  	v16 =	vsel vm9, $0x109F, v16;
	v17 =	vsel vm2, $0x113F, v17  }
0x83: {  	v16 =	vsel vm10, $0x10BE, v16;
	v17 =	vsel vm4, $0x115E, v17  }
0x84: {  	v19 =	vimm.s32 $0x12FF;
	v16 =	vsel vm11, $0x10BF, v16;
	v17 =	vsel vm5, $0x115F, v17  }
0x85: {  	v19 =	vsel vm3, $0x121E, v19;
	v16 =	vsel vm12, $0x10DE, v16;
	v17 =	vsel vm6, $0x117E, v17  }
0x86: {  	v19 =	vsel vm0, $0x121F, v19;
	v16 =	vsel vm13, $0x10DF, v16;
	v17 =	vsel vm7, $0x117F, v17;
	[tilespmem:v15+s12+$0x0] =	vst.idx.msk $0xffff, v18  }
0x87: {  	v16 =	vsel vm14, $0x10FE, v16;
	v17 =	vsel vm8, $0x119E, v17;
	v18 =	vsel vm1, $0x123E, v19;
	v19 =	vld [tilespmem:$0x2620]  }
0x88: {  	v17 =	vsel vm9, $0x119F, v17;
	v18 =	vsel vm2, $0x123F, v18  }
0x89: {  	v17 =	vsel vm10, $0x11BE, v17;
	v18 =	vsel vm4, $0x125E, v18  }
0x8a: {  	v20 =	vimm.s32 $0x13FF;
	v17 =	vsel vm11, $0x11BF, v17;
	v18 =	vsel vm5, $0x125F, v18  }
0x8b: {  	v20 =	vsel vm3, $0x131E, v20;
	v17 =	vsel vm12, $0x11DE, v17;
	v18 =	vsel vm6, $0x127E, v18  }
0x8c: {  	v20 =	vsel vm0, $0x131F, v20;
	v17 =	vsel vm13, $0x11DF, v17;
	v18 =	vsel vm7, $0x127F, v18;
	[tilespmem:v16+s12+$0x0] =	vst.idx.msk $0xffff, v19  }
0x8d: {  	v17 =	vsel vm14, $0x11FE, v17;
	v18 =	vsel vm8, $0x129E, v18;
	v19 =	vsel vm1, $0x133E, v20;
	v20 =	vld [tilespmem:$0x2630]  }
0x8e: {  	v18 =	vsel vm9, $0x129F, v18;
	v19 =	vsel vm2, $0x133F, v19  }
0x8f: {  	v18 =	vsel vm10, $0x12BE, v18;
	v19 =	vsel vm4, $0x135E, v19  }
0x90: {  	v21 =	vimm.s32 $0x14FF;
	v18 =	vsel vm11, $0x12BF, v18;
	v19 =	vsel vm5, $0x135F, v19  }
0x91: {  	v21 =	vsel vm3, $0x141E, v21;
	v18 =	vsel vm12, $0x12DE, v18;
	v19 =	vsel vm6, $0x137E, v19  }
0x92: {  	v21 =	vsel vm0, $0x141F, v21;
	v18 =	vsel vm13, $0x12DF, v18;
	v19 =	vsel vm7, $0x137F, v19;
	[tilespmem:v17+s12+$0x0] =	vst.idx.msk $0xffff, v20  }
0x93: {  	v18 =	vsel vm14, $0x12FE, v18;
	v19 =	vsel vm8, $0x139E, v19;
	v20 =	vsel vm1, $0x143E, v21;
	v21 =	vld [tilespmem:$0x2640]  }
0x94: {  	v19 =	vsel vm9, $0x139F, v19;
	v20 =	vsel vm2, $0x143F, v20  }
0x95: {  	v19 =	vsel vm10, $0x13BE, v19;
	v20 =	vsel vm4, $0x145E, v20  }
0x96: {  	v22 =	vimm.s32 $0x15FF;
	v19 =	vsel vm11, $0x13BF, v19;
	v20 =	vsel vm5, $0x145F, v20  }
0x97: {  	v22 =	vsel vm3, $0x151E, v22;
	v19 =	vsel vm12, $0x13DE, v19;
	v20 =	vsel vm6, $0x147E, v20  }
0x98: {  	v22 =	vsel vm0, $0x151F, v22;
	v19 =	vsel vm13, $0x13DF, v19;
	v20 =	vsel vm7, $0x147F, v20;
	[tilespmem:v18+s12+$0x0] =	vst.idx.msk $0xffff, v21  }
0x99: {  	v19 =	vsel vm14, $0x13FE, v19;
	v20 =	vsel vm8, $0x149E, v20;
	v21 =	vsel vm1, $0x153E, v22;
	v22 =	vld [tilespmem:$0x2650]  }
0x9a: {  	v20 =	vsel vm9, $0x149F, v20;
	v21 =	vsel vm2, $0x153F, v21  }
0x9b: {  	v20 =	vsel vm10, $0x14BE, v20;
	v21 =	vsel vm4, $0x155E, v21  }
0x9c: {  	v23 =	vimm.s32 $0x16FF;
	v20 =	vsel vm11, $0x14BF, v20;
	v21 =	vsel vm5, $0x155F, v21  }
0x9d: {  	v23 =	vsel vm3, $0x161E, v23;
	v20 =	vsel vm12, $0x14DE, v20;
	v21 =	vsel vm6, $0x157E, v21  }
0x9e: {  	v23 =	vsel vm0, $0x161F, v23;
	v20 =	vsel vm13, $0x14DF, v20;
	v21 =	vsel vm7, $0x157F, v21;
	[tilespmem:v19+s12+$0x0] =	vst.idx.msk $0xffff, v22  }
0x9f: {  	v20 =	vsel vm14, $0x14FE, v20;
	v21 =	vsel vm8, $0x159E, v21;
	v22 =	vsel vm1, $0x163E, v23;
	v23 =	vld [tilespmem:$0x2660]  }
0xa0: {  	v21 =	vsel vm9, $0x159F, v21;
	v22 =	vsel vm2, $0x163F, v22  }
0xa1: {  	v21 =	vsel vm10, $0x15BE, v21;
	v22 =	vsel vm4, $0x165E, v22  }
0xa2: {  	v24 =	vimm.s32 $0x17FF;
	v21 =	vsel vm11, $0x15BF, v21;
	v22 =	vsel vm5, $0x165F, v22  }
0xa3: {  	v24 =	vsel vm3, $0x171E, v24;
	v21 =	vsel vm12, $0x15DE, v21;
	v22 =	vsel vm6, $0x167E, v22  }
0xa4: {  	v24 =	vsel vm0, $0x171F, v24;
	v21 =	vsel vm13, $0x15DF, v21;
	v22 =	vsel vm7, $0x167F, v22;
	[tilespmem:v20+s12+$0x0] =	vst.idx.msk $0xffff, v23  }
0xa5: {  	v21 =	vsel vm14, $0x15FE, v21;
	v22 =	vsel vm8, $0x169E, v22;
	v23 =	vsel vm1, $0x173E, v24;
	v24 =	vld [tilespmem:$0x2670]  }
0xa6: {  	v22 =	vsel vm9, $0x169F, v22;
	v23 =	vsel vm2, $0x173F, v23  }
0xa7: {  	v22 =	vsel vm10, $0x16BE, v22;
	v23 =	vsel vm4, $0x175E, v23  }
0xa8: {  	v25 =	vimm.s32 $0x18FF;
	v22 =	vsel vm11, $0x16BF, v22;
	v23 =	vsel vm5, $0x175F, v23  }
0xa9: {  	v25 =	vsel vm3, $0x181E, v25;
	v22 =	vsel vm12, $0x16DE, v22;
	v23 =	vsel vm6, $0x177E, v23  }
0xaa: {  	v25 =	vsel vm0, $0x181F, v25;
	v22 =	vsel vm13, $0x16DF, v22;
	v23 =	vsel vm7, $0x177F, v23;
	[tilespmem:v21+s12+$0x0] =	vst.idx.msk $0xffff, v24  }
0xab: {  	v22 =	vsel vm14, $0x16FE, v22;
	v23 =	vsel vm8, $0x179E, v23;
	v24 =	vsel vm1, $0x183E, v25;
	v25 =	vld [tilespmem:$0x2680]  }
0xac: {  	v23 =	vsel vm9, $0x179F, v23;
	v24 =	vsel vm2, $0x183F, v24  }
0xad: {  	v23 =	vsel vm10, $0x17BE, v23;
	v24 =	vsel vm4, $0x185E, v24  }
0xae: {  	v26 =	vimm.s32 $0x19FF;
	v23 =	vsel vm11, $0x17BF, v23;
	v24 =	vsel vm5, $0x185F, v24  }
0xaf: {  	v26 =	vsel vm3, $0x191E, v26;
	v23 =	vsel vm12, $0x17DE, v23;
	v24 =	vsel vm6, $0x187E, v24  }
0xb0: {  	v26 =	vsel vm0, $0x191F, v26;
	v23 =	vsel vm13, $0x17DF, v23;
	v24 =	vsel vm7, $0x187F, v24;
	[tilespmem:v22+s12+$0x0] =	vst.idx.msk $0xffff, v25  }
0xb1: {  	v23 =	vsel vm14, $0x17FE, v23;
	v24 =	vsel vm8, $0x189E, v24;
	v25 =	vsel vm1, $0x193E, v26;
	v26 =	vld [tilespmem:$0x2690]  }
0xb2: {  	v24 =	vsel vm9, $0x189F, v24;
	v25 =	vsel vm2, $0x193F, v25  }
0xb3: {  	v24 =	vsel vm10, $0x18BE, v24;
	v25 =	vsel vm4, $0x195E, v25  }
0xb4: {  	v27 =	vimm.s32 $0x1AFF;
	v24 =	vsel vm11, $0x18BF, v24;
	v25 =	vsel vm5, $0x195F, v25  }
0xb5: {  	v27 =	vsel vm3, $0x1A1E, v27;
	v24 =	vsel vm12, $0x18DE, v24;
	v25 =	vsel vm6, $0x197E, v25  }
0xb6: {  	v27 =	vsel vm0, $0x1A1F, v27;
	v24 =	vsel vm13, $0x18DF, v24;
	v25 =	vsel vm7, $0x197F, v25;
	[tilespmem:v23+s12+$0x0] =	vst.idx.msk $0xffff, v26  }
0xb7: {  	v24 =	vsel vm14, $0x18FE, v24;
	v25 =	vsel vm8, $0x199E, v25;
	v26 =	vsel vm1, $0x1A3E, v27;
	v27 =	vld [tilespmem:$0x26A0]  }
0xb8: {  	v25 =	vsel vm9, $0x199F, v25;
	v26 =	vsel vm2, $0x1A3F, v26  }
0xb9: {  	v25 =	vsel vm10, $0x19BE, v25;
	v26 =	vsel vm4, $0x1A5E, v26  }
0xba: {  	v28 =	vimm.s32 $0x1BFF;
	v25 =	vsel vm11, $0x19BF, v25;
	v26 =	vsel vm5, $0x1A5F, v26  }
0xbb: {  	v28 =	vsel vm3, $0x1B1E, v28;
	v25 =	vsel vm12, $0x19DE, v25;
	v26 =	vsel vm6, $0x1A7E, v26  }
0xbc: {  	v28 =	vsel vm0, $0x1B1F, v28;
	v25 =	vsel vm13, $0x19DF, v25;
	v26 =	vsel vm7, $0x1A7F, v26;
	[tilespmem:v24+s12+$0x0] =	vst.idx.msk $0xffff, v27  }
0xbd: {  	v25 =	vsel vm14, $0x19FE, v25;
	v26 =	vsel vm8, $0x1A9E, v26;
	v27 =	vsel vm1, $0x1B3E, v28;
	v28 =	vld [tilespmem:$0x26B0]  }
0xbe: {  	v26 =	vsel vm9, $0x1A9F, v26;
	v27 =	vsel vm2, $0x1B3F, v27  }
0xbf: {  	v26 =	vsel vm10, $0x1ABE, v26;
	v27 =	vsel vm4, $0x1B5E, v27  }
0xc0: {  	v29 =	vimm.s32 $0x1CFF;
	v26 =	vsel vm11, $0x1ABF, v26;
	v27 =	vsel vm5, $0x1B5F, v27  }
0xc1: {  	v29 =	vsel vm3, $0x1C1E, v29;
	v26 =	vsel vm12, $0x1ADE, v26;
	v27 =	vsel vm6, $0x1B7E, v27  }
0xc2: {  	v29 =	vsel vm0, $0x1C1F, v29;
	v26 =	vsel vm13, $0x1ADF, v26;
	v27 =	vsel vm7, $0x1B7F, v27;
	[tilespmem:v25+s12+$0x0] =	vst.idx.msk $0xffff, v28  }
0xc3: {  	v26 =	vsel vm14, $0x1AFE, v26;
	v27 =	vsel vm8, $0x1B9E, v27;
	v28 =	vsel vm1, $0x1C3E, v29;
	v29 =	vld [tilespmem:$0x26C0]  }
0xc4: {  	v27 =	vsel vm9, $0x1B9F, v27;
	v28 =	vsel vm2, $0x1C3F, v28  }
0xc5: {  	v27 =	vsel vm10, $0x1BBE, v27;
	v28 =	vsel vm4, $0x1C5E, v28  }
0xc6: {  	v30 =	vimm.s32 $0x1DFF;
	v27 =	vsel vm11, $0x1BBF, v27;
	v28 =	vsel vm5, $0x1C5F, v28  }
0xc7: {  	v30 =	vsel vm3, $0x1D1E, v30;
	v27 =	vsel vm12, $0x1BDE, v27;
	v28 =	vsel vm6, $0x1C7E, v28  }
0xc8: {  	v30 =	vsel vm0, $0x1D1F, v30;
	v27 =	vsel vm13, $0x1BDF, v27;
	v28 =	vsel vm7, $0x1C7F, v28;
	[tilespmem:v26+s12+$0x0] =	vst.idx.msk $0xffff, v29  }
0xc9: {  	v27 =	vsel vm14, $0x1BFE, v27;
	v28 =	vsel vm8, $0x1C9E, v28;
	v29 =	vsel vm1, $0x1D3E, v30;
	v30 =	vld [tilespmem:$0x26D0]  }
0xca: {  	v28 =	vsel vm9, $0x1C9F, v28;
	v29 =	vsel vm2, $0x1D3F, v29  }
0xcb: {  	v28 =	vsel vm10, $0x1CBE, v28;
	v29 =	vsel vm4, $0x1D5E, v29  }
0xcc: {  	v31 =	vimm.s32 $0x1EFF;
	v28 =	vsel vm11, $0x1CBF, v28;
	v29 =	vsel vm5, $0x1D5F, v29  }
0xcd: {  	v31 =	vsel vm3, $0x1E1E, v31;
	v28 =	vsel vm12, $0x1CDE, v28;
	v29 =	vsel vm6, $0x1D7E, v29  }
0xce: {  	v31 =	vsel vm0, $0x1E1F, v31;
	v28 =	vsel vm13, $0x1CDF, v28;
	v29 =	vsel vm7, $0x1D7F, v29;
	[tilespmem:v27+s12+$0x0] =	vst.idx.msk $0xffff, v30  }
0xcf: {  	v28 =	vsel vm14, $0x1CFE, v28;
	v29 =	vsel vm8, $0x1D9E, v29;
	v30 =	vsel vm1, $0x1E3E, v31;
	v31 =	vld [tilespmem:$0x26E0]  }
0xd0: {  	v29 =	vsel vm9, $0x1D9F, v29;
	v30 =	vsel vm2, $0x1E3F, v30  }
0xd1: {  	v29 =	vsel vm10, $0x1DBE, v29;
	v30 =	vsel vm4, $0x1E5E, v30  }
0xd2: {  	v32 =	vimm.s32 $0x1FFF;
	v29 =	vsel vm11, $0x1DBF, v29;
	v30 =	vsel vm5, $0x1E5F, v30  }
0xd3: {  	v32 =	vsel vm3, $0x1F1E, v32;
	v29 =	vsel vm12, $0x1DDE, v29;
	v30 =	vsel vm6, $0x1E7E, v30  }
0xd4: {  	v32 =	vsel vm0, $0x1F1F, v32;
	v29 =	vsel vm13, $0x1DDF, v29;
	v30 =	vsel vm7, $0x1E7F, v30;
	[tilespmem:v28+s12+$0x0] =	vst.idx.msk $0xffff, v31  }
0xd5: {  	v29 =	vsel vm14, $0x1DFE, v29;
	v30 =	vsel vm8, $0x1E9E, v30;
	v31 =	vsel vm1, $0x1F3E, v32;
	v55 =	vld [tilespmem:$0x26F0]  }
0xd6: {  	v30 =	vsel vm9, $0x1E9F, v30;
	v31 =	vsel vm2, $0x1F3F, v31  }
0xd7: {  	v30 =	vsel vm10, $0x1EBE, v30;
	v31 =	vsel vm4, $0x1F5E, v31  }
0xd8: {  	v33 =	vimm.s32 $0x20FF;
	v30 =	vsel vm11, $0x1EBF, v30;
	v31 =	vsel vm5, $0x1F5F, v31  }
0xd9: {  	v33 =	vsel vm3, $0x201E, v33;
	v30 =	vsel vm12, $0x1EDE, v30;
	v31 =	vsel vm6, $0x1F7E, v31  }
0xda: {  	v33 =	vsel vm0, $0x201F, v33;
	v30 =	vsel vm13, $0x1EDF, v30;
	v31 =	vsel vm7, $0x1F7F, v31;
	[tilespmem:v29+s12+$0x0] =	vst.idx.msk $0xffff, v55  }
0xdb: {  	v56 =	vsel vm1, $0x203E, v33;
	v30 =	vsel vm14, $0x1EFE, v30;
	v31 =	vsel vm8, $0x1F9E, v31;
	v57 =	vld [tilespmem:$0x2700]  }
0xdc: {  	v32 =	vsel vm2, $0x203F, v56;
	v31 =	vsel vm9, $0x1F9F, v31  }
0xdd: {  	v32 =	vsel vm4, $0x205E, v32;
	v31 =	vsel vm10, $0x1FBE, v31  }
0xde: {  	v34 =	vimm.s32 $0x21FF;
	v32 =	vsel vm5, $0x205F, v32;
	v31 =	vsel vm11, $0x1FBF, v31  }
0xdf: {  	v34 =	vsel vm3, $0x211E, v34;
	v32 =	vsel vm6, $0x207E, v32;
	v31 =	vsel vm12, $0x1FDE, v31  }
0xe0: {  	v34 =	vsel vm0, $0x211F, v34;
	v32 =	vsel vm7, $0x207F, v32;
	v31 =	vsel vm13, $0x1FDF, v31;
	[tilespmem:v30+s12+$0x0] =	vst.idx.msk $0xffff, v57  }
0xe1: {  	v58 =	vsel vm1, $0x213E, v34;
	v32 =	vsel vm8, $0x209E, v32;
	v31 =	vsel vm14, $0x1FFE, v31;
	v59 =	vld [tilespmem:$0x2710]  }
0xe2: {  	v33 =	vsel vm2, $0x213F, v58;
	v32 =	vsel vm9, $0x209F, v32  }
0xe3: {  	v33 =	vsel vm4, $0x215E, v33;
	v32 =	vsel vm10, $0x20BE, v32  }
0xe4: {  	v35 =	vimm.s32 $0x22FF;
	v33 =	vsel vm5, $0x215F, v33;
	v32 =	vsel vm11, $0x20BF, v32  }
0xe5: {  	v35 =	vsel vm3, $0x221E, v35;
	v33 =	vsel vm6, $0x217E, v33;
	v32 =	vsel vm12, $0x20DE, v32  }
0xe6: {  	v35 =	vsel vm0, $0x221F, v35;
	v33 =	vsel vm7, $0x217F, v33;
	v32 =	vsel vm13, $0x20DF, v32;
	[tilespmem:v31+s12+$0x0] =	vst.idx.msk $0xffff, v59  }
0xe7: {  	v60 =	vsel vm1, $0x223E, v35;
	v33 =	vsel vm8, $0x219E, v33;
	v32 =	vsel vm14, $0x20FE, v32;
	v61 =	vld [tilespmem:$0x2720]  }
0xe8: {  	v34 =	vsel vm2, $0x223F, v60;
	v33 =	vsel vm9, $0x219F, v33  }
0xe9: {  	v34 =	vsel vm4, $0x225E, v34;
	v33 =	vsel vm10, $0x21BE, v33  }
0xea: {  	v36 =	vimm.s32 $0x23FF;
	v34 =	vsel vm5, $0x225F, v34;
	v33 =	vsel vm11, $0x21BF, v33  }
0xeb: {  	v36 =	vsel vm3, $0x231E, v36;
	v34 =	vsel vm6, $0x227E, v34;
	v33 =	vsel vm12, $0x21DE, v33  }
0xec: {  	v36 =	vsel vm0, $0x231F, v36;
	v34 =	vsel vm7, $0x227F, v34;
	v33 =	vsel vm13, $0x21DF, v33;
	[tilespmem:v32+s12+$0x0] =	vst.idx.msk $0xffff, v61  }
0xed: {  	v62 =	vsel vm1, $0x233E, v36;
	v34 =	vsel vm8, $0x229E, v34;
	v33 =	vsel vm14, $0x21FE, v33;
	v63 =	vld [tilespmem:$0x2730]  }
0xee: {  	v35 =	vsel vm2, $0x233F, v62;
	v34 =	vsel vm9, $0x229F, v34  }
0xef: {  	v35 =	vsel vm4, $0x235E, v35;
	v34 =	vsel vm10, $0x22BE, v34  }
0xf0: {  	v35 =	vsel vm5, $0x235F, v35;
	v34 =	vsel vm11, $0x22BF, v34  }
0xf1: {  	v35 =	vsel vm6, $0x237E, v35;
	v34 =	vsel vm12, $0x22DE, v34  }
0xf2: {  	v35 =	vsel vm7, $0x237F, v35;
	v34 =	vsel vm13, $0x22DF, v34;
	[tilespmem:v33+s12+$0x0] =	vst.idx.msk $0xffff, v63  }
0xf3: {  	v35 =	vsel vm8, $0x239E, v35;
	v34 =	vsel vm14, $0x22FE, v34;
	v36 =	vld [tilespmem:$0x2740]  }
0xf4: {  	v35 =	vsel vm9, $0x239F, v35  }
0xf5: {  	v35 =	vsel vm10, $0x23BE, v35  }
0xf6: {  	v35 =	vsel vm11, $0x23BF, v35  }
0xf7: {  	v35 =	vsel vm12, $0x23DE, v35  }
0xf8: {  	s16 =	ssub.s32 $0x2, s16;
	v35 =	vsel vm13, $0x23DF, v35;
	[tilespmem:v34+s12+$0x0] =	vst.idx.msk $0xffff, v36  }
0xf9: {  	s19 =	sshrl.u32 s16, $0x1;
	v35 =	vsel vm14, $0x23FE, v35;
	v36 =	vld [tilespmem:$0x2750]  }
0xfa: {  	s30 =	ssub.s32 s16, s19  }
0xfb: {  	s18 =	smul.u32 $0x480, s18;
	s31 =	smax.u32 s30, $0x1  }
0xfc: {  	p0 =	sne.s32 s31, $0x1  }
.Ltmp0:
0xfd: {  	s17 =	sadd.s32 s18, s17;
	(pc) =	sbr.rel @!p0 .LBB2_2-.Ltmp0, $4  }
0xfe: {  	s16 =	sadd.s32 $0x201600, s17;
	[tilespmem:v35+s12+$0x0] =	vst.idx.msk $0xffff, v36  }
0xff: {  	[hbm4b:s16+s2] =	stream.linear.scatter [tilespmem:s12], [sflag:$0x2], $0x2400, $0x38;
	[tilespmem:$0x2760] =	vst v63  }
0x100: {  	_ =	swait.ge [sflag:s3], $0x2400  }
0x101: {  	s17 =	sadd.s32 $0xFFFFFFFF, s31;
	[sflag:s3] =	ssyncset.done $0x0  }
.LBB2_1:
0x102: {  	p0 =	sne.s32 s17, $0x1;
	s17 =	sadd.s32 $0xFFFFFFFF, s17;
	[sflag:s3] =	ssyncadd.s32 $0xFFFFDC00  }
0x103: {  	[tilespmem:s2], [sflag:$0x2] =	stream.linear.gather [hbm4b:s4+s2], $0x60, $0x38;
	[tilespmem:$0x2760] =	vst v63  }
0x104: {  	_ =	swait.ge [sflag:s3], $0x60  }
0x105: {  	[sflag:s3] =	ssyncset.done $0x0  }
0x106: {  	[sflag:s3] =	ssyncadd.s32 $0xFFFFFFA0  }
0x107: {  	[tilespmem:s6], [sflag:$0x2] =	stream.linear.gather [hbm4b:s5+s2], $0x60, $0x38;
	[tilespmem:$0x2760] =	vst v63  }
0x108: {  	_ =	swait.ge [sflag:s3], $0x60  }
0x109: {  	[sflag:s3] =	ssyncset.done $0x0  }
0x10a: {  	[sflag:s3] =	ssyncadd.s32 $0xFFFFFFA0  }
0x10b: {  	[tilespmem:s8], [sflag:$0x2] =	stream.linear.gather [hbm4b:s7+s2], $0x60, $0x38;
	[tilespmem:$0x2760] =	vst v63  }
0x10c: {  	_ =	swait.ge [sflag:s3], $0x60  }
0x10d: {  	[sflag:s3] =	ssyncset.done $0x0  }
0x10e: {  	[sflag:s3] =	ssyncadd.s32 $0xFFFFFFA0  }
0x10f: {  	[tilespmem:s10], [sflag:$0x2] =	stream.linear.gather [hbm4b:s9+s2], $0x240, $0x38;
	[tilespmem:$0x2760] =	vst v63  }
0x110: {  	_ =	swait.ge [sflag:s3], $0x240  }
0x111: {  	[sflag:s3] =	ssyncset.done $0x0  }
0x112: {  	[sflag:s3] =	ssyncadd.s32 $0xFFFFFDC0  }
0x113: {  	[tilespmem:s12], [sflag:$0x1] =	stream.indirect.gather [hbm4b:s11+s6], $0x20, s2, s6, $0xb8;
	[tilespmem:$0x2760] =	vst v63  }
0x114: {  	_ = 	snop  }
0x115: {  	[tilespmem:s13], [sflag:$0x1] =	stream.indirect.gather [hbm4b:s11+s6], $0x20, s6, s6, $0xb8;
	[tilespmem:$0x2760] =	vst v63  }
0x116: {  	_ = 	snop  }
0x117: {  	[tilespmem:s14], [sflag:$0x1] =	stream.indirect.gather [hbm4b:s11+s6], $0x20, s8, s6, $0xb8;
	[tilespmem:$0x2760] =	vst v63  }
0x118: {  	_ =	swait.ge [sflag:s15], $0xC00  }
0x119: {  	[sflag:s15] =	ssyncset.done $0x0  }
0x11a: {  	[sflag:s15] =	ssyncadd.s32 $0xFFFFF400  }
0x11b: {  	_ =	swait.ge [sflag:s15], $0xC00  }
0x11c: {  	[sflag:s15] =	ssyncset.done $0x0  }
0x11d: {  	[sflag:s15] =	ssyncadd.s32 $0xFFFFF400  }
0x11e: {  	_ =	swait.ge [sflag:s15], $0xC00  }
0x11f: {  	[sflag:s15] =	ssyncset.done $0x0  }
0x120: {  	[sflag:s15] =	ssyncadd.s32 $0xFFFFF400  }
0x121: {  	v36 =	vld [tilespmem:$0x2520];
	_ =	sdelay $0x4  }
0x122: {  	[tilespmem:v0+s12+$0x0] =	vst.idx.msk $0xffff, v36  }
0x123: {  	v36 =	vld [tilespmem:$0x2530];
	_ =	sdelay $0x4  }
0x124: {  	[tilespmem:v1+s12+$0x0] =	vst.idx.msk $0xffff, v36  }
0x125: {  	v36 =	vld [tilespmem:$0x2540];
	_ =	sdelay $0x4  }
0x126: {  	[tilespmem:v2+s12+$0x0] =	vst.idx.msk $0xffff, v36  }
0x127: {  	v36 =	vld [tilespmem:$0x2550];
	_ =	sdelay $0x4  }
0x128: {  	[tilespmem:v3+s12+$0x0] =	vst.idx.msk $0xffff, v36  }
0x129: {  	v36 =	vld [tilespmem:$0x2560];
	_ =	sdelay $0x4  }
0x12a: {  	[tilespmem:v4+s12+$0x0] =	vst.idx.msk $0xffff, v36  }
0x12b: {  	v36 =	vld [tilespmem:$0x2570];
	_ =	sdelay $0x4  }
0x12c: {  	[tilespmem:v5+s12+$0x0] =	vst.idx.msk $0xffff, v36  }
0x12d: {  	v36 =	vld [tilespmem:$0x2580];
	_ =	sdelay $0x4  }
0x12e: {  	[tilespmem:v6+s12+$0x0] =	vst.idx.msk $0xffff, v36  }
0x12f: {  	v36 =	vld [tilespmem:$0x2590];
	_ =	sdelay $0x4  }
0x130: {  	[tilespmem:v7+s12+$0x0] =	vst.idx.msk $0xffff, v36  }
0x131: {  	v36 =	vld [tilespmem:$0x25A0];
	_ =	sdelay $0x4  }
0x132: {  	[tilespmem:v8+s12+$0x0] =	vst.idx.msk $0xffff, v36  }
0x133: {  	v36 =	vld [tilespmem:$0x25B0];
	_ =	sdelay $0x4  }
0x134: {  	[tilespmem:v9+s12+$0x0] =	vst.idx.msk $0xffff, v36  }
0x135: {  	v36 =	vld [tilespmem:$0x25C0];
	_ =	sdelay $0x4  }
0x136: {  	[tilespmem:v10+s12+$0x0] =	vst.idx.msk $0xffff, v36  }
0x137: {  	v36 =	vld [tilespmem:$0x25D0];
	_ =	sdelay $0x4  }
0x138: {  	[tilespmem:v11+s12+$0x0] =	vst.idx.msk $0xffff, v36  }
0x139: {  	v36 =	vld [tilespmem:$0x25E0];
	_ =	sdelay $0x4  }
0x13a: {  	[tilespmem:v12+s12+$0x0] =	vst.idx.msk $0xffff, v36  }
0x13b: {  	v36 =	vld [tilespmem:$0x25F0];
	_ =	sdelay $0x4  }
0x13c: {  	[tilespmem:v13+s12+$0x0] =	vst.idx.msk $0xffff, v36  }
0x13d: {  	v36 =	vld [tilespmem:$0x2600];
	_ =	sdelay $0x4  }
0x13e: {  	[tilespmem:v14+s12+$0x0] =	vst.idx.msk $0xffff, v36  }
0x13f: {  	v36 =	vld [tilespmem:$0x2610];
	_ =	sdelay $0x4  }
0x140: {  	[tilespmem:v15+s12+$0x0] =	vst.idx.msk $0xffff, v36  }
0x141: {  	v36 =	vld [tilespmem:$0x2620];
	_ =	sdelay $0x4  }
0x142: {  	[tilespmem:v16+s12+$0x0] =	vst.idx.msk $0xffff, v36  }
0x143: {  	v36 =	vld [tilespmem:$0x2630];
	_ =	sdelay $0x4  }
0x144: {  	[tilespmem:v17+s12+$0x0] =	vst.idx.msk $0xffff, v36  }
0x145: {  	v36 =	vld [tilespmem:$0x2640];
	_ =	sdelay $0x4  }
0x146: {  	[tilespmem:v18+s12+$0x0] =	vst.idx.msk $0xffff, v36  }
0x147: {  	v36 =	vld [tilespmem:$0x2650];
	_ =	sdelay $0x4  }
0x148: {  	[tilespmem:v19+s12+$0x0] =	vst.idx.msk $0xffff, v36  }
0x149: {  	v36 =	vld [tilespmem:$0x2660];
	_ =	sdelay $0x4  }
0x14a: {  	[tilespmem:v20+s12+$0x0] =	vst.idx.msk $0xffff, v36  }
0x14b: {  	v36 =	vld [tilespmem:$0x2670];
	_ =	sdelay $0x4  }
0x14c: {  	[tilespmem:v21+s12+$0x0] =	vst.idx.msk $0xffff, v36  }
0x14d: {  	v36 =	vld [tilespmem:$0x2680];
	_ =	sdelay $0x4  }
0x14e: {  	[tilespmem:v22+s12+$0x0] =	vst.idx.msk $0xffff, v36  }
0x14f: {  	v36 =	vld [tilespmem:$0x2690];
	_ =	sdelay $0x4  }
0x150: {  	[tilespmem:v23+s12+$0x0] =	vst.idx.msk $0xffff, v36  }
0x151: {  	v36 =	vld [tilespmem:$0x26A0];
	_ =	sdelay $0x4  }
0x152: {  	[tilespmem:v24+s12+$0x0] =	vst.idx.msk $0xffff, v36  }
0x153: {  	v36 =	vld [tilespmem:$0x26B0];
	_ =	sdelay $0x4  }
0x154: {  	[tilespmem:v25+s12+$0x0] =	vst.idx.msk $0xffff, v36  }
0x155: {  	v36 =	vld [tilespmem:$0x26C0];
	_ =	sdelay $0x4  }
0x156: {  	[tilespmem:v26+s12+$0x0] =	vst.idx.msk $0xffff, v36  }
0x157: {  	v36 =	vld [tilespmem:$0x26D0];
	_ =	sdelay $0x4  }
0x158: {  	[tilespmem:v27+s12+$0x0] =	vst.idx.msk $0xffff, v36  }
0x159: {  	v36 =	vld [tilespmem:$0x26E0];
	_ =	sdelay $0x4  }
0x15a: {  	[tilespmem:v28+s12+$0x0] =	vst.idx.msk $0xffff, v36  }
0x15b: {  	v36 =	vld [tilespmem:$0x26F0];
	_ =	sdelay $0x4  }
0x15c: {  	[tilespmem:v29+s12+$0x0] =	vst.idx.msk $0xffff, v36  }
0x15d: {  	v36 =	vld [tilespmem:$0x2700];
	_ =	sdelay $0x4  }
0x15e: {  	[tilespmem:v30+s12+$0x0] =	vst.idx.msk $0xffff, v36  }
0x15f: {  	v36 =	vld [tilespmem:$0x2710];
	_ =	sdelay $0x4  }
0x160: {  	[tilespmem:v31+s12+$0x0] =	vst.idx.msk $0xffff, v36  }
0x161: {  	v36 =	vld [tilespmem:$0x2720];
	_ =	sdelay $0x4  }
0x162: {  	[tilespmem:v32+s12+$0x0] =	vst.idx.msk $0xffff, v36  }
0x163: {  	v36 =	vld [tilespmem:$0x2730];
	_ =	sdelay $0x4  }
0x164: {  	[tilespmem:v33+s12+$0x0] =	vst.idx.msk $0xffff, v36  }
0x165: {  	v36 =	vld [tilespmem:$0x2740];
	_ =	sdelay $0x4  }
0x166: {  	[tilespmem:v34+s12+$0x0] =	vst.idx.msk $0xffff, v36  }
0x167: {  	v36 =	vld [tilespmem:$0x2750];
	_ =	sdelay $0x3  }
.Ltmp1:
0x168: {  	(pc) =	sbr.rel @p0 .LBB2_1-.Ltmp1, $4  }
0x169: {  	[tilespmem:v35+s12+$0x0] =	vst.idx.msk $0xffff, v36  }
0x16a: {  	[hbm4b:s16+s2] =	stream.linear.scatter [tilespmem:s12], [sflag:$0x2], $0x2400, $0x38;
	[tilespmem:$0x2760] =	vst v63  }
0x16b: {  	_ =	swait.ge [sflag:s3], $0x2400  }
0x16c: {  	[sflag:s3] =	ssyncset.done $0x0  }
.LBB2_2:
0x16d: {  	[sflag:s3] =	ssyncadd.s32 $0xFFFFDC00  }
0x16e: {  	_ =	sfence.sel $0x180000  }
0x16f: {  	[bflag:$0x0] =	sbarrier.arrive $0xFFFF  }
0x170: {  	p0 =	sne.s32 s0, $0x0;
	_ =	strace $0x9000004A  }
0x171: {  	s0 =	sadd.s32 @!p0 $0x100000, s1;
	[bflag:$0x2] =	sbarrier.arrive $0xFFFF  }
0x172: {  	[sflag:s0] =	ssyncadd.tile.s32 @!p0 $0x1;
	_ =	shalt  }
.Lfunc_end2:
_tile_overlayer_lowered:
.L_overlay_start_2:
0x173: {  	(tag) =	ssettag $0x2  }
0x174: {  	s0 =	rddreg [dreg:$0x0];
	s2 =	stileid.u32  }
0x175: {  	s1 =	rddreg [dreg:$0x1];
	p0 =	sne.s32 s2, $0x0  }
0x176: {  	s3 =	rddreg [dreg:$0x2];
	[bflag:$0x3] =	sbarrier.arrive $0xFFFF;
	s2 =	simm.s32 @!p0 $0x1C02  }
0x177: {  	[timem:s3], [sflag:s2] =	dma.local @!p0 [hbm:s0], s1  }
0x178: {  	s0 =	simm.s32 @!p0 $0x2  }
0x179: {  	_ =	swait.ge @!p0 [sflag:s0], s1  }
0x17a: {  	s1 =	ssub.s32 @!p0 $0x0, s1;
	[sflag:s0] =	ssyncset.done @!p0 $0x0  }
0x17b: {  	[sflag:s0] =	ssyncadd.s32 @!p0 s1  }
0x17c: {  	[bflag:$0x3] =	sbarrier.arrive $0xFFFF  }
0x17d: {  	_ =	shalt  }

// kernel: sparse-core-data-format-call.cloned.1.call-start
scs
called_computation_lowered:
.L_overlay_start_0:
0x0: {  	s1 =	sld [smem:$0x3FD9]  }
0x1: {  	s2 =	sld [smem:$0x3FFE];
	_ =	sdelay $0x1  }
0x2: {  	s3 =	srdreg.scid  }
0x3: {  	s0 =	sand.u32 $0x1, s3  }
0x4: {  	s17 =	sshll.u32 s0, $0xA;
	s1 =	sadd.s32 s2, s1  }
0x5: {  	s1 =	sadd.s32 s1, s17  }
0x6: {  	[smem:$0x3FC0] =	sst s1  }
0x7: {  	_ = 	snop  }
0x8: {  	(tm) =	ssettm $0x1  }
0x9: {  	s18 =	sld [smem:$0x3FFB];
	_ =	sdelay $0x3  }
0xa: {  	_ =	strace s18  }
0xb: {  	s1 =	sld [smem:$0x3FFC];
	_ =	sdelay $0x3  }
0xc: {  	_ =	strace s1  }
0xd: {  	s1 =	sld [smem:$0x3FFD];
	_ =	sdelay $0x3  }
0xe: {  	_ =	strace s1  }
0xf: {  	_ =	strace $0x8FFFFFFF  }
0x10: {  	s19 =	sld [smem:$0x3FDB];
	_ =	sdelay $0x1  }
0x11: {  	s20 =	simm.s32 $_scs_section_size  }
0x12: {  	s4 =	simm.s32 $_size__tile_overlayer_lowered;
	s5 =	simm.s32 $_tile_overlayer_lowered  }
0x13: {  	s23 =	simm.s32 $0x1BFF;
	s22 =	sshll.u32 s5, $0x1;
	s1 =	sadd.s32 s20, s19  }
0x14: {  	s6 =	simm.s32 $0x0;
	s21 =	sshll.u32 s4, $0x1;
	s4 =	sadd.s32 s22, s1  }
0x15: {  	[timem:s6], [sflag:s23] =	dma.local [hbm:s4], s21  }
0x16: {  	_ =	swait.ge [sflag:s23], s21  }
0x17: {  	s2 =	ssub.s32 $0x0, s21;
	[sflag:s23] =	ssyncset.done $0x0  }
0x18: {  	[sflag:s23] =	ssyncadd.s32 s2;
	_ =	sdelay $0x1  }
0x19: {  	s24 =	simm.s32 $0x1B8B  }
0x1a: {  	_ =	swait.ge [sflag:s24], $0x1  }
0x1b: {  	[sflag:s24] =	ssyncset.done $0x0  }
0x1c: {  	s26 =	simm.s32 $0x1B8E;
	s25 =	sld [smem:$0x3FFE];
	[sflag:s24] =	ssyncadd.s32 $0xFFFFFFFF  }
0x1d: {  	s27 =	simm.s32 $execute0_lowered;
	[smem:$0x3FD2] =	sst s26  }
0x1e: {  	s4 =	sshll.u32 s27, $0x1;
	_ =	strace $0x80000046;
	[dreg:$0x1] =	wrdreg $0xFFFFFFFF  }
0x1f: {  	s28 =	simm.s32 $_size_execute0_lowered;
	s1 =	sadd.s32 s1, s4;
	[dreg:$0x0] =	wrdreg $0x0  }
0x20: {  	s4 =	sshll.u32 s28, $0x1;
	[dreg:$0x2] =	wrdreg s1  }
0x21: {  	[dreg:$0x3] =	wrdreg s4  }
0x22: {  	[dreg:$0x4] =	wrdreg $0xC0  }
0x23: {  	_ =	task [dreg:s6], $0x5FFFF  }
0x24: {  	[dreg:$0x1] =	wrdreg $0xFFFFFFFF  }
0x25: {  	[dreg:$0x0] =	wrdreg $0x60  }
0x26: {  	[dreg:$0x2] =	wrdreg s25  }
0x27: {  	[dreg:$0x3] =	wrdreg $0x9  }
0x28: {  	_ =	task.clear_ibuf [dreg:s6], $0x4FFFF;
	_ =	strace $0x90000046  }
0x29: {  	s29 =	simm.s32 $0x9;
	_ =	strace $0x80000048  }
0x2a: {  	_ =	swait.ge [sflag:s29], $0x1  }
0x2b: {  	[sflag:s29] =	ssyncadd.s32 $0xFFFFFFFF  }
0x2c: {  	_ =	strace $0x90000048  }
0x2d: {  	_ =	sfence  }
0x2e: {  	s30 =	sld [smem:$0x0];
	_ =	sdelay $0x2  }
0x2f: {  	s31 =	sshll.u32 s3, $0xD;
	s3 =	sshrl.u32 s3, $0x2  }
0x30: {  	s2 =	sand.u32 $0x4000, s31;
	s1 =	sadd.s32 s3, s30  }
0x31: {  	s0 =	sor.u32 s2, s0;
	s1 =	sshll.u32 s1, $0x11  }
0x32: {  	s0 =	sor.u32 s1, s0  }
0x33: {  	s0 =	sadd.s32 $0x8F2B, s0  }
0x34: {  	[sflag:s0] =	ssyncadd.remote.s32 $0x1  }
0x35: {  	_ =	sfence.sel $0xFFFF  }
0x36: {  	[dreg:$0x0] =	wrdreg $0xFFFFFFFF;
	(pc) =	sbr.abs _section_cstart, $3  }
0x37: {  	[dreg:$0x1] =	wrdreg $0xFFFFFFFF  }
0x38: {  	_ =	task.clear_ibuf [dreg:s6], $0x2FFFF;
	_ =	strace $0x9FFFFFFF  }
0x39: {  	(tm) =	ssettm $0x7FFFFFFF  }
tec
execute0_lowered:
.L_overlay_start_1:
0x0: {  	(tag) =	ssettag $0x1  }
0x1: {  	s0 =	stileid.u32  }
0x2: {  	s1 =	srdreg.scid;
	s7 =	rddreg [dreg:$0x0]  }
0x3: {  	s31 =	simm.s32 $0x2;
	s16 =	simm.s32 $0x0;
	s9 =	simm.s32 $0x80  }
0x4: {  	s14 =	simm.s32 $0x0;
	s2 =	sshll.u32 s0, $0x8;
	s1 =	sshll.u32 s1, $0xC  }
0x5: {  	s15 =	simm.s32 $0x0;
	s11 =	simm.s32 $0x0;
	s1 =	sor.u32 s2, s1  }
0x6: {  	s13 =	simm.s32 $0x0;
	s3 =	sand.u32 $0x1, s0;
	s2 =	sand.u32 $0x1E00, s1  }
0x7: {  	s5 =	ssub.s32 $0x2, s3;
	s1 =	rddreg [dreg:$0x1];
	s4 =	ssub.s32 $0x40000, s2  }
0x8: {  	s8 =	sshrl.u32 s5, $0x1;
	s5 =	sand.u32 $0x1, s5;
	s6 =	sand.u32 $0x1E00, s4  }
0x9: {  	_ =	strace $0x80000047;
	p0 =	sne.s32 s6, $0x0;
	s6 =	simm.s32 $0x1  }
.Ltmp0:
0xa: {  	s4 =	sshrl.u32 s4, $0xD;
	s6 =	simm.s32 @!p0 $0x0;
	(pc) =	sbr.rel .LBB1_1-.Ltmp0, $4  }
0xb: {  	s8 =	sadd.s32 s5, s8;
	s5 =	simm.s32 $0x1;
	s6 =	sadd.s32 s6, s4  }
0xc: {  	s12 =	smov.u32 s3;
	[sflag:s5] =	ssyncpa.u1 $0x0;
	s6 =	smul.u32 s8, s6  }
0xd: {  	s10 =	smov.u32 s2;
	[sflag:s31] =	ssyncpa.u1 $0x0;
	p0 =	por $0x0, $0x0  }
0xe: {  	s4 =	sadd.s32 $0x1600, s7;
	s7 =	sadd.s32 $0x201600, s7;
	s8 =	sadd.s32 $0x1, s6  }
.LBB1_4:
0xf: {  	_ = 	snop  }
0x10: {  	[tilespmem:s21+$0x2D60 ss:$0x21] =	vst.msk $0xffff, v7  }
0x11: {  	[tilespmem:s21+$0x2F70 ss:$0x21] =	vst.msk $0xffff, v6  }
0x12: {  	[tilespmem:s21+$0x3390 ss:$0x21] =	vst.msk $0xffff, v3  }
0x13: {  	s24 =	sor.u32 s27, s26;
	v31 =	vld.idx.msk [tilespmem:v0+s19+$0xC70 ss:$0x1], $0xffff;
	[tilespmem:s21+$0x35A0 ss:$0x21] =	vst.msk $0xffff, v1  }
0x14: {  	[tilespmem:s21+$0x37B0 ss:$0x21] =	vst.msk $0xffff, v2;
	v43 =	vld.idx.msk [tilespmem:v0+s24+$0x410 ss:$0x1], $0xffff  }
0x15: {  	[tilespmem:s21+$0x39C0 ss:$0x21] =	vst.msk $0xffff, v4;
	v44 =	vld.idx.msk [tilespmem:v0+s24+$0x420 ss:$0x1], $0xffff  }
0x16: {  	[tilespmem:s21+$0x3BD0 ss:$0x21] =	vst.msk $0xffff, v5;
	s25 =	sand.u32 $0x3200, s24;
	v45 =	vld.idx.msk [tilespmem:v0+s24+$0x430 ss:$0x1], $0xffff  }
0x17: {  	s23 =	sand.u32 $0x180, s23;
	s27 =	sshra.s32 s22, $0x2;
	[tilespmem:s21+$0x3DE0 ss:$0x21] =	vst.msk $0xffff, v8;
	v46 =	vld.idx.msk [tilespmem:v0+s24+$0x440 ss:$0x1], $0xffff;
	s18 =	sadd.s32 s25, s18  }
0x18: {  	v47 =	vld.idx.msk [tilespmem:v0+s24+$0x450 ss:$0x1], $0xffff;
	s26 =	sadd.s32 s23, s18;
	s18 =	sadd.s32 s27, s20;
	[tilespmem:s21+$0x3FF0 ss:$0x21] =	vst.msk $0xffff, v31  }
0x19: {  	v48 =	vld.idx.msk [tilespmem:v0+s24+$0x460 ss:$0x1], $0xffff;
	[tilespmem:s18+$0x1290 ss:$0x21] =	vst.msk $0xffff, v43  }
0x1a: {  	v49 =	vld.idx.msk [tilespmem:v0+s24+$0x470 ss:$0x1], $0xffff;
	[tilespmem:s18+$0x14A0 ss:$0x21] =	vst.msk $0xffff, v44  }
0x1b: {  	v50 =	vld.idx.msk [tilespmem:v0+s24+$0x810 ss:$0x1], $0xffff;
	[tilespmem:s18+$0x16B0 ss:$0x21] =	vst.msk $0xffff, v45  }
0x1c: {  	v51 =	vld.idx.msk [tilespmem:v0+s24+$0x820 ss:$0x1], $0xffff;
	[tilespmem:s18+$0x18C0 ss:$0x21] =	vst.msk $0xffff, v46  }
0x1d: {  	v52 =	vld.idx.msk [tilespmem:v0+s24+$0x830 ss:$0x1], $0xffff;
	[tilespmem:s18+$0x1AD0 ss:$0x21] =	vst.msk $0xffff, v47  }
0x1e: {  	v53 =	vld.idx.msk [tilespmem:v0+s24+$0x840 ss:$0x1], $0xffff;
	[tilespmem:s18+$0x1CE0 ss:$0x21] =	vst.msk $0xffff, v48  }
0x1f: {  	v54 =	vld.idx.msk [tilespmem:v0+s24+$0x850 ss:$0x1], $0xffff;
	[tilespmem:s18+$0x1EF0 ss:$0x21] =	vst.msk $0xffff, v49  }
0x20: {  	v55 =	vld.idx.msk [tilespmem:v0+s24+$0x860 ss:$0x1], $0xffff;
	[tilespmem:s18+$0x2310 ss:$0x21] =	vst.msk $0xffff, v50  }
0x21: {  	v56 =	vld.idx.msk [tilespmem:v0+s24+$0x870 ss:$0x1], $0xffff;
	[tilespmem:s18+$0x2520 ss:$0x21] =	vst.msk $0xffff, v51  }
0x22: {  	v57 =	vld.idx.msk [tilespmem:v0+s24+$0xC10 ss:$0x1], $0xffff;
	[tilespmem:s18+$0x2730 ss:$0x21] =	vst.msk $0xffff, v52  }
0x23: {  	v58 =	vld.idx.msk [tilespmem:v0+s24+$0xC20 ss:$0x1], $0xffff;
	[tilespmem:s18+$0x2940 ss:$0x21] =	vst.msk $0xffff, v53  }
0x24: {  	v59 =	vld.idx.msk [tilespmem:v0+s24+$0xC30 ss:$0x1], $0xffff;
	[tilespmem:s18+$0x2B50 ss:$0x21] =	vst.msk $0xffff, v54  }
0x25: {  	v60 =	vld.idx.msk [tilespmem:v0+s24+$0xC40 ss:$0x1], $0xffff;
	[tilespmem:s18+$0x2D60 ss:$0x21] =	vst.msk $0xffff, v55  }
0x26: {  	v61 =	vld.idx.msk [tilespmem:v0+s24+$0xC50 ss:$0x1], $0xffff;
	[tilespmem:s18+$0x2F70 ss:$0x21] =	vst.msk $0xffff, v56  }
0x27: {  	v62 =	vld.idx.msk [tilespmem:v0+s24+$0xC60 ss:$0x1], $0xffff;
	[tilespmem:s18+$0x3390 ss:$0x21] =	vst.msk $0xffff, v57  }
0x28: {  	v63 =	vld.idx.msk [tilespmem:v0+s24+$0xC70 ss:$0x1], $0xffff;
	[tilespmem:s18+$0x35A0 ss:$0x21] =	vst.msk $0xffff, v58  }
0x29: {  	v32 =	vld [tilespmem:s26+$0xC00];
	[tilespmem:s18+$0x37B0 ss:$0x21] =	vst.msk $0xffff, v59  }
0x2a: {  	v33 =	vld [tilespmem:s26+$0x0];
	[tilespmem:s18+$0x39C0 ss:$0x21] =	vst.msk $0xffff, v60  }
0x2b: {  	v34 =	vld [tilespmem:s26+$0x10];
	[tilespmem:s18+$0x3BD0 ss:$0x21] =	vst.msk $0xffff, v61  }
0x2c: {  	v35 =	vld [tilespmem:s26+$0x20];
	[tilespmem:s18+$0x3DE0 ss:$0x21] =	vst.msk $0xffff, v62  }
0x2d: {  	v36 =	vld [tilespmem:s26+$0x30];
	[tilespmem:s18+$0x3FF0 ss:$0x21] =	vst.msk $0xffff, v63  }
0x2e: {  	v37 =	vld [tilespmem:s26+$0x40];
	[tilespmem:s18+$0x3180 ss:$0x21] =	vst.msk $0xffff, v32  }
0x2f: {  	v38 =	vld [tilespmem:s26+$0x50];
	[tilespmem:s18+$0x0 ss:$0x21] =	vst.msk $0xffff, v33  }
0x30: {  	v39 =	vld [tilespmem:s26+$0x60];
	[tilespmem:s18+$0x210 ss:$0x21] =	vst.msk $0xffff, v34  }
0x31: {  	v40 =	vld [tilespmem:s26+$0x70];
	[tilespmem:s18+$0x420 ss:$0x21] =	vst.msk $0xffff, v35  }
0x32: {  	s16 =	sshll.u32 s16, $0x7;
	s28 =	sshll.u32 s14, $0x3;
	v41 =	vld [tilespmem:s26+$0x400];
	[tilespmem:s18+$0x630 ss:$0x21] =	vst.msk $0xffff, v36  }
0x33: {  	s29 =	sand.u32 $0x1FFFC00, s16;
	s19 =	sand.u32 $0x1FFFC00, s28;
	v42 =	vld [tilespmem:s26+$0x800];
	[tilespmem:s18+$0x840 ss:$0x21] =	vst.msk $0xffff, v37  }
0x34: {  	s15 =	sshll.u32 s15, $0x16;
	s16 =	sand.u32 $0x380, s16;
	s19 =	sadd.s32 s19, s29;
	[tilespmem:s18+$0xA50 ss:$0x21] =	vst.msk $0xffff, v38  }
0x35: {  	s30 =	sshrl.u32 s14, $0x3;
	s31 =	sand.u32 $0x7, s14;
	s16 =	sor.u32 s16, s19;
	[tilespmem:s18+$0xC60 ss:$0x21] =	vst.msk $0xffff, v39  }
0x36: {  	s15 =	sadd.s32 s7, s15;
	s19 =	sand.u32 $0xF, s30;
	s16 =	sshrl.u32 s16, $0x3;
	[tilespmem:s18+$0xE70 ss:$0x21] =	vst.msk $0xffff, v40  }
0x37: {  	s14 =	sshll.u32 s31, $0x12;
	s15 =	sadd.s32 s19, s15;
	s16 =	sand.u32 $0x3FFFF0, s16;
	[tilespmem:s18+$0x1080 ss:$0x21] =	vst.msk $0xffff, v41  }
0x38: {  	s14 =	sor.u32 $0x20, s14;
	s15 =	sadd.s32 s16, s15;
	[tilespmem:s18+$0x2100 ss:$0x21] =	vst.msk $0xffff, v42  }
0x39: {  	[hbm4b:s15+s14] =	stream.strided.scatter [tilespmem:s17], [sflag:$0x2], $0x4000, s9, s14, $0x10;
	[tilespmem:$0x10400] =	vst v63  }
.LBB1_5:
0x3a: {  	s17 =	sadd.s32 $0x2000, s10  }
0x3b: {  	s14 =	sadd.s32 $0x20, s11;
	s18 =	smov.u32 s11;
	p2 =	sgt.s32 s17, $0x3FFFF  }
0x3c: {  	s18 =	smov.u32 @p2 s14  }
0x3d: {  	s20 =	smov.u32 s12;
	s14 =	sadd.s32 $0x2, s12;
	p3 =	sgt.s32 s18, $0x1D  }
0x3e: {  	s20 =	smov.u32 @p3 s14  }
0x3f: {  	s17 =	smov.u32 @p2 s2;
	p2 =	sgt.s32 s20, $0x1  }
0x40: {  	p1 =	slt.u32 s13, $0x2;
	s20 =	smov.u32 @p2 s3;
	p2 =	sne.s32 s13, s8  }
.Ltmp1:
0x41: {  	s19 =	simm.s32 @!p1 $0x2;
	(pc) =	sbr.rel @!p2 .LBB1_6-.Ltmp1, $4  }
0x42: {  	s16 =	smov.u32 s10;
	s15 =	smov.u32 s12;
	_ =	swait.ge @!p1 [sflag:s19], $0x4000  }
0x43: {  	p0 =	por !p0, !p0;
	[sflag:s19] =	ssyncset.done @!p1 $0x0;
	s10 =	smov.u32 s17  }
0x44: {  	s18 =	simm.s32 @p3 $0x0;
	s14 =	smov.u32 s11;
	[sflag:s19] =	ssyncadd.s32 @!p1 $0xFFFFC000  }
0x45: {  	s11 =	smov.u32 s18;
	s13 =	sadd.s32 $0x1, s13;
	s12 =	smov.u32 s20  }
.LBB1_1:
0x46: {  	p1 =	sge.u32 s13, s6;
	s31 =	sadd.s32 $0xFFFFFFFF, s13  }
0x47: {  	s17 =	sxor.u32 @!p1 $0xFFFFFFFF, s13;
	s18 =	sand.u32 @!p1 $0x78, s10;
	s19 =	sshll.u32 @!p1 s11, $0x12  }
0x48: {  	s20 =	sshll.u32 @!p1 s11, $0x7;
	s21 =	sshll.u32 @!p1 s10, $0x3;
	s17 =	sshll.u32 @!p1 s17, $0xE  }
0x49: {  	s19 =	sand.u32 @!p1 $0x600000, s19;
	s20 =	sand.u32 @!p1 $0x380, s20;
	s17 =	sand.u32 @!p1 $0x4000, s17  }
0x4a: {  	s19 =	sadd.s32 @!p1 s19, s21;
	s21 =	sand.u32 @!p1 $0x3FC00, s21;
	s18 =	sor.u32 @!p1 s20, s18  }
0x4b: {  	s20 =	sshll.u32 @!p1 s12, $0x14;
	s18 =	sor.u32 @!p1 s21, s18;
	s19 =	sshrl.u32 @!p1 s19, $0x3  }
0x4c: {  	s20 =	sadd.s32 @!p1 s4, s20;
	s21 =	sand.u32 @!p1 $0x7, s10;
	s19 =	sand.u32 @!p1 $0xF8000, s19  }
0x4d: {  	s18 =	sshrl.u32 @!p1 s18, $0x3;
	s19 =	sadd.s32 @!p1 s19, s20;
	s20 =	sshll.u32 @!p1 s21, $0x12  }
0x4e: {  	s18 =	sadd.s32 @!p1 s18, s19;
	s19 =	sor.u32 @!p1 $0x1000, s20;
	s20 =	simm.s32 @!p1 $0x200000  }
0x4f: {  	[tilespmem:s17], [sflag:$0x1] =	stream.strided.gather @!p1 [hbm4b:s18+s19], $0x4000, s20, s19, $0x38;
	[tilespmem:$0x10400] =	vst v63  }
0x50: {  	p1 =	sge.u32 s31, s6  }
.Ltmp2:
0x51: {  	_ = 	snop;
	(pc) =	sbr.rel @p1 .LBB1_5-.Ltmp2, $1  }
0x52: {  	_ =	sdelay $0x3  }
0x53: {  	s20 =	simm.s32 $0x0  }
0x54: {  	s19 =	sand.u32 $0x3000, s20;
	s21 =	sand.u32 $0x380, s20  }
0x55: {  	s17 =	sand.u32 $0x1, s13;
	s19 =	sor.u32 s21, s19  }
0x56: {  	_ =	swait.ge [sflag:s5], $0x4000;
	s18 =	sshll.u32 s17, $0xE;
	s21 =	sand.u32 $0x3200, s19  }
0x57: {  	[sflag:s5] =	ssyncset.done $0x0;
	s20 =	sand.u32 $0x180, s20;
	s21 =	sadd.s32 s21, s18  }
0x58: {  	[sflag:s5] =	ssyncadd.s32 $0xFFFFC000;
	s23 =	sadd.s32 s20, s21  }
0x59: {  	v4 =	vld [tilespmem:s23+$0xC00]  }
0x5a: {  	s22 =	simm.s32 $0x1;
	v0 =	vmov s18;
	v5 =	vld [tilespmem:s23+$0x0]  }
0x5b: {  	s22 =	simm.s32 @!p0 $0x0;
	v6 =	vld [tilespmem:s23+$0x10]  }
0x5c: {  	s31 =	smul.u32 $0x10800, s22;
	v7 =	vld [tilespmem:s23+$0x20]  }
0x5d: {  	v8 =	vld [tilespmem:s23+$0x30]  }
0x5e: {  	s20 =	sshrl.u32 s31, $0x2;
	v9 =	vld [tilespmem:s23+$0x40]  }
0x5f: {  	s20 =	sor.u32 $0x8000, s20;
	v1 =	vld.idx.msk [tilespmem:v0+s19+$0x410 ss:$0x1], $0xffff  }
0x60: {  	v2 =	vld.idx.msk [tilespmem:v0+s19+$0x420 ss:$0x1], $0xffff;
	s21 =	sadd.s32 $0x0, s20  }
0x61: {  	v3 =	vld.idx.msk [tilespmem:v0+s19+$0x430 ss:$0x1], $0xffff;
	[tilespmem:s21+$0x3180 ss:$0x21] =	vst.msk $0xffff, v4  }
0x62: {  	v10 =	vld.idx.msk [tilespmem:v0+s19+$0x820 ss:$0x1], $0xffff;
	[tilespmem:s21+$0x0 ss:$0x21] =	vst.msk $0xffff, v5  }
0x63: {  	v11 =	vld.idx.msk [tilespmem:v0+s19+$0x830 ss:$0x1], $0xffff;
	[tilespmem:s21+$0x210 ss:$0x21] =	vst.msk $0xffff, v6  }
0x64: {  	v12 =	vld.idx.msk [tilespmem:v0+s19+$0x840 ss:$0x1], $0xffff;
	[tilespmem:s21+$0x420 ss:$0x21] =	vst.msk $0xffff, v7  }
0x65: {  	v13 =	vld.idx.msk [tilespmem:v0+s19+$0x850 ss:$0x1], $0xffff;
	[tilespmem:s21+$0x630 ss:$0x21] =	vst.msk $0xffff, v8  }
0x66: {  	v4 =	vld [tilespmem:s23+$0x50];
	[tilespmem:s21+$0x840 ss:$0x21] =	vst.msk $0xffff, v9  }
0x67: {  	v5 =	vld [tilespmem:s23+$0x60];
	[tilespmem:s21+$0x1290 ss:$0x21] =	vst.msk $0xffff, v1  }
0x68: {  	v6 =	vld [tilespmem:s23+$0x70];
	[tilespmem:s21+$0x14A0 ss:$0x21] =	vst.msk $0xffff, v2  }
0x69: {  	v7 =	vld [tilespmem:s23+$0x400];
	[tilespmem:s21+$0x16B0 ss:$0x21] =	vst.msk $0xffff, v3  }
0x6a: {  	v8 =	vld [tilespmem:s23+$0x800];
	[tilespmem:s21+$0x2520 ss:$0x21] =	vst.msk $0xffff, v10  }
0x6b: {  	v9 =	vld.idx.msk [tilespmem:v0+s19+$0x470 ss:$0x1], $0xffff;
	[tilespmem:s21+$0x2730 ss:$0x21] =	vst.msk $0xffff, v11  }
0x6c: {  	v3 =	vld.idx.msk [tilespmem:v0+s19+$0xC10 ss:$0x1], $0xffff;
	[tilespmem:s21+$0x2940 ss:$0x21] =	vst.msk $0xffff, v12  }
0x6d: {  	v1 =	vld.idx.msk [tilespmem:v0+s19+$0xC20 ss:$0x1], $0xffff;
	[tilespmem:s21+$0x2B50 ss:$0x21] =	vst.msk $0xffff, v13  }
0x6e: {  	v2 =	vld.idx.msk [tilespmem:v0+s19+$0xC30 ss:$0x1], $0xffff;
	[tilespmem:s21+$0xA50 ss:$0x21] =	vst.msk $0xffff, v4  }
0x6f: {  	[tilespmem:s21+$0xE70 ss:$0x21] =	vst.msk $0xffff, v6;
	v6 =	vld.idx.msk [tilespmem:v0+s19+$0x460 ss:$0x1], $0xffff  }
0x70: {  	v4 =	vld.idx.msk [tilespmem:v0+s19+$0x440 ss:$0x1], $0xffff;
	[tilespmem:s21+$0xC60 ss:$0x21] =	vst.msk $0xffff, v5  }
0x71: {  	v5 =	vld.idx.msk [tilespmem:v0+s19+$0x450 ss:$0x1], $0xffff;
	[tilespmem:s21+$0x1080 ss:$0x21] =	vst.msk $0xffff, v7  }
0x72: {  	[tilespmem:s21+$0x2100 ss:$0x21] =	vst.msk $0xffff, v8;
	v8 =	vld.idx.msk [tilespmem:v0+s19+$0x810 ss:$0x1], $0xffff  }
0x73: {  	v7 =	vld.idx.msk [tilespmem:v0+s19+$0x860 ss:$0x1], $0xffff;
	[tilespmem:s21+$0x1EF0 ss:$0x21] =	vst.msk $0xffff, v9  }
0x74: {  	s17 =	smul.u32 $0x10800, s17;
	[tilespmem:s21+$0x1CE0 ss:$0x21] =	vst.msk $0xffff, v6;
	v6 =	vld.idx.msk [tilespmem:v0+s19+$0x870 ss:$0x1], $0xffff  }
0x75: {  	s24 =	simm.s32 $0x200;
	s25 =	simm.s32 $0x8;
	[tilespmem:s21+$0x18C0 ss:$0x21] =	vst.msk $0xffff, v4;
	v4 =	vld.idx.msk [tilespmem:v0+s19+$0xC40 ss:$0x1], $0xffff  }
0x76: {  	s26 =	sand.u32 $0x3000, s24;
	s17 =	sshrl.u32 s17, $0x2;
	s23 =	simm.s32 $0x80;
	[tilespmem:s21+$0x1AD0 ss:$0x21] =	vst.msk $0xffff, v5;
	v5 =	vld.idx.msk [tilespmem:v0+s19+$0xC50 ss:$0x1], $0xffff  }
0x77: {  	s22 =	simm.s32 $0x4;
	s17 =	sor.u32 $0x8000, s17;
	s27 =	sand.u32 $0x380, s23;
	[tilespmem:s21+$0x2310 ss:$0x21] =	vst.msk $0xffff, v8;
	v8 =	vld.idx.msk [tilespmem:v0+s19+$0xC60 ss:$0x1], $0xffff  }
.LBB1_3:
0x78: {  	p1 =	sne.s32 s25, $0x7C;
	[tilespmem:s21+$0x2D60 ss:$0x21] =	vst.msk $0xffff, v7;
	v7 =	vld.idx.msk [tilespmem:v0+s19+$0xC70 ss:$0x1], $0xffff;
	s19 =	sor.u32 s27, s26  }
0x79: {  	s26 =	sand.u32 $0x3200, s19;
	v9 =	vld.idx.msk [tilespmem:v0+s19+$0x410 ss:$0x1], $0xffff;
	[tilespmem:s21+$0x2F70 ss:$0x21] =	vst.msk $0xffff, v6  }
0x7a: {  	s27 =	sand.u32 $0x180, s23;
	s26 =	sadd.s32 s26, s18;
	v6 =	vld.idx.msk [tilespmem:v0+s19+$0x420 ss:$0x1], $0xffff;
	[tilespmem:s21+$0x3390 ss:$0x21] =	vst.msk $0xffff, v3  }
0x7b: {  	s26 =	sadd.s32 s27, s26;
	v3 =	vld.idx.msk [tilespmem:v0+s19+$0x430 ss:$0x1], $0xffff;
	[tilespmem:s21+$0x35A0 ss:$0x21] =	vst.msk $0xffff, v1  }
0x7c: {  	v1 =	vld [tilespmem:s26+$0xC00];
	[tilespmem:s21+$0x37B0 ss:$0x21] =	vst.msk $0xffff, v2  }
0x7d: {  	v2 =	vld [tilespmem:s26+$0x0];
	[tilespmem:s21+$0x39C0 ss:$0x21] =	vst.msk $0xffff, v4  }
0x7e: {  	v4 =	vld [tilespmem:s26+$0x10];
	[tilespmem:s21+$0x3BD0 ss:$0x21] =	vst.msk $0xffff, v5  }
0x7f: {  	s27 =	sshra.s32 s22, $0x2;
	s22 =	smov.u32 s25;
	v5 =	vld [tilespmem:s26+$0x20];
	[tilespmem:s21+$0x3DE0 ss:$0x21] =	vst.msk $0xffff, v8  }
0x80: {  	v8 =	vld [tilespmem:s26+$0x30];
	[tilespmem:s21+$0x3FF0 ss:$0x21] =	vst.msk $0xffff, v7;
	s21 =	sadd.s32 s27, s20  }
0x81: {  	v7 =	vld [tilespmem:s26+$0x40];
	[tilespmem:s21+$0x3180 ss:$0x21] =	vst.msk $0xffff, v1  }
0x82: {  	[tilespmem:s21+$0x0 ss:$0x21] =	vst.msk $0xffff, v2;
	v1 =	vld [tilespmem:s26+$0x50]  }
0x83: {  	[tilespmem:s21+$0x210 ss:$0x21] =	vst.msk $0xffff, v4;
	v2 =	vld [tilespmem:s26+$0x60]  }
0x84: {  	[tilespmem:s21+$0x420 ss:$0x21] =	vst.msk $0xffff, v5;
	v4 =	vld [tilespmem:s26+$0x70]  }
0x85: {  	[tilespmem:s21+$0x630 ss:$0x21] =	vst.msk $0xffff, v8;
	v5 =	vld [tilespmem:s26+$0x400]  }
0x86: {  	[tilespmem:s21+$0x840 ss:$0x21] =	vst.msk $0xffff, v7;
	v7 =	vld [tilespmem:s26+$0x800]  }
0x87: {  	[tilespmem:s21+$0xA50 ss:$0x21] =	vst.msk $0xffff, v1;
	v1 =	vld.idx.msk [tilespmem:v0+s19+$0x440 ss:$0x1], $0xffff  }
0x88: {  	[tilespmem:s21+$0xC60 ss:$0x21] =	vst.msk $0xffff, v2;
	v2 =	vld.idx.msk [tilespmem:v0+s19+$0x450 ss:$0x1], $0xffff  }
0x89: {  	[tilespmem:s21+$0xE70 ss:$0x21] =	vst.msk $0xffff, v4;
	v4 =	vld.idx.msk [tilespmem:v0+s19+$0x460 ss:$0x1], $0xffff  }
0x8a: {  	[tilespmem:s21+$0x1080 ss:$0x21] =	vst.msk $0xffff, v5;
	v5 =	vld.idx.msk [tilespmem:v0+s19+$0x470 ss:$0x1], $0xffff  }
0x8b: {  	[tilespmem:s21+$0x2100 ss:$0x21] =	vst.msk $0xffff, v7;
	v8 =	vld.idx.msk [tilespmem:v0+s19+$0x810 ss:$0x1], $0xffff  }
0x8c: {  	[tilespmem:s21+$0x1290 ss:$0x21] =	vst.msk $0xffff, v9;
	v9 =	vld.idx.msk [tilespmem:v0+s19+$0x820 ss:$0x1], $0xffff  }
0x8d: {  	[tilespmem:s21+$0x14A0 ss:$0x21] =	vst.msk $0xffff, v6;
	v10 =	vld.idx.msk [tilespmem:v0+s19+$0x830 ss:$0x1], $0xffff  }
0x8e: {  	[tilespmem:s21+$0x16B0 ss:$0x21] =	vst.msk $0xffff, v3;
	v11 =	vld.idx.msk [tilespmem:v0+s19+$0x840 ss:$0x1], $0xffff  }
0x8f: {  	[tilespmem:s21+$0x18C0 ss:$0x21] =	vst.msk $0xffff, v1;
	v12 =	vld.idx.msk [tilespmem:v0+s19+$0x850 ss:$0x1], $0xffff  }
0x90: {  	[tilespmem:s21+$0x1AD0 ss:$0x21] =	vst.msk $0xffff, v2;
	v7 =	vld.idx.msk [tilespmem:v0+s19+$0x860 ss:$0x1], $0xffff  }
0x91: {  	[tilespmem:s21+$0x1CE0 ss:$0x21] =	vst.msk $0xffff, v4;
	v6 =	vld.idx.msk [tilespmem:v0+s19+$0x870 ss:$0x1], $0xffff  }
0x92: {  	[tilespmem:s21+$0x1EF0 ss:$0x21] =	vst.msk $0xffff, v5;
	v3 =	vld.idx.msk [tilespmem:v0+s19+$0xC10 ss:$0x1], $0xffff  }
.Ltmp3:
0x93: {  	[tilespmem:s21+$0x2310 ss:$0x21] =	vst.msk $0xffff, v8;
	v1 =	vld.idx.msk [tilespmem:v0+s19+$0xC20 ss:$0x1], $0xffff;
	(pc) =	sbr.rel @p1 .LBB1_3-.Ltmp3, $4  }
0x94: {  	[tilespmem:s21+$0x2520 ss:$0x21] =	vst.msk $0xffff, v9;
	v2 =	vld.idx.msk [tilespmem:v0+s19+$0xC30 ss:$0x1], $0xffff  }
0x95: {  	[tilespmem:s21+$0x2730 ss:$0x21] =	vst.msk $0xffff, v10;
	v4 =	vld.idx.msk [tilespmem:v0+s19+$0xC40 ss:$0x1], $0xffff  }
0x96: {  	s23 =	sadd.s32 $0x80, s23;
	s24 =	sadd.s32 $0x200, s24;
	[tilespmem:s21+$0x2940 ss:$0x21] =	vst.msk $0xffff, v11;
	v5 =	vld.idx.msk [tilespmem:v0+s19+$0xC50 ss:$0x1], $0xffff  }
0x97: {  	s25 =	sadd.s32 $0x4, s25;
	s27 =	sand.u32 $0x380, s23;
	s26 =	sand.u32 $0x3000, s24;
	[tilespmem:s21+$0x2B50 ss:$0x21] =	vst.msk $0xffff, v12;
	v8 =	vld.idx.msk [tilespmem:v0+s19+$0xC60 ss:$0x1], $0xffff  }
.Ltmp4:
0x98: {  	_ = 	snop;
	(pc) =	sbr.rel .LBB1_4-.Ltmp4, $1  }
0x99: {  	_ =	sdelay $0x3  }
.LBB1_6:
0x9a: {  	_ =	sfence.sel $0x180000  }
0x9b: {  	s2 =	simm.s32 $0x1;
	[bflag:$0x0] =	sbarrier.arrive $0xFFFF  }
0x9c: {  	s31 =	simm.s32 $0x2;
	[sflag:s2] =	ssyncpa.u1 $0x1  }
0x9d: {  	[sflag:s31] =	ssyncpa.u1 $0x1  }
0x9e: {  	p0 =	sne.s32 s0, $0x0;
	_ =	strace $0x90000047  }
0x9f: {  	s0 =	sadd.s32 @!p0 $0x100000, s1;
	[bflag:$0x2] =	sbarrier.arrive $0xFFFF  }
0xa0: {  	[sflag:s0] =	ssyncadd.tile.s32 @!p0 $0x1;
	_ =	shalt  }
.Lfunc_end1:
_tile_overlayer_lowered:
.L_overlay_start_2:
0xa1: {  	(tag) =	ssettag $0x2  }
0xa2: {  	s0 =	rddreg [dreg:$0x0];
	s2 =	stileid.u32  }
0xa3: {  	s1 =	rddreg [dreg:$0x1];
	p0 =	sne.s32 s2, $0x0  }
0xa4: {  	s3 =	rddreg [dreg:$0x2];
	[bflag:$0x3] =	sbarrier.arrive $0xFFFF;
	s2 =	simm.s32 @!p0 $0x1C01  }
0xa5: {  	[timem:s3], [sflag:s2] =	dma.local @!p0 [hbm:s0], s1  }
0xa6: {  	s0 =	simm.s32 @!p0 $0x1  }
0xa7: {  	_ =	swait.ge @!p0 [sflag:s0], s1  }
0xa8: {  	s1 =	ssub.s32 @!p0 $0x0, s1;
	[sflag:s0] =	ssyncset.done @!p0 $0x0  }
0xa9: {  	[sflag:s0] =	ssyncadd.s32 @!p0 s1  }
0xaa: {  	[bflag:$0x3] =	sbarrier.arrive $0xFFFF  }
0xab: {  	_ =	shalt  }

</sc_bundles>
